<compile_context>
chip_gen: v7x
topology: tpu7x:2x2x1
jax: 0.10.2.dev20260603
libtpu: 0.0.44.dev20260713+nightly
codegen_flags: <defaults>
</compile_context>

<pallas_src>
import functools

import jax
import jax.numpy as jnp
from jax import lax
from jax.experimental import pallas as pl
from jax.experimental.pallas import tpu as pltpu
from jax.experimental.pallas import tpu_sc as plsc

OUT_DIM = 512
NC, NS = 2, 16
NW = NC * NS
CHUNK = 16
NBUF = 8


def _table_body(sym_ref, w_ref, b_ref, out_ref):
    t = (
        jnp.dot(sym_ref[:], w_ref[:], preferred_element_type=jnp.float32)
        + b_ref[:]
    )
    out_ref[:] = jnp.broadcast_to(t[None], (NW,) + t.shape)


def _make_table(symbols, W, b):
    vocab = symbols.shape[0]
    rep = pl.pallas_call(
        _table_body,
        out_shape=jax.ShapeDtypeStruct((NW, vocab, OUT_DIM), jnp.float32),
    )(symbols, W, b.reshape(1, OUT_DIM))
    return rep.reshape(NW * vocab, OUT_DIM)


def _gather_body(n_chunks, table, idx, out, idx_v, *scratch):
    bufs = scratch[:NBUF]
    gsems = scratch[NBUF:2 * NBUF]
    wsems = scratch[2 * NBUF:3 * NBUF]
    wid = lax.axis_index("s") * NC + lax.axis_index("c")
    base = wid * (n_chunks * CHUNK)
    pltpu.sync_copy(idx.at[wid], idx_v)

    def gstart(c, b):
        pltpu.async_copy(table.at[idx_v.at[pl.ds(c * CHUNK, CHUNK)]],
                         bufs[b], gsems[b])

    def gwait(b):
        pltpu.make_async_copy(table.at[idx_v.at[pl.ds(0, CHUNK)]],
                              bufs[b], gsems[b]).wait()

    def wstart(c, b):
        pltpu.async_copy(bufs[b], out.at[pl.ds(base + c * CHUNK, CHUNK)],
                         wsems[b])

    def wwait(c, b):
        pltpu.make_async_copy(
            bufs[b], out.at[pl.ds(base + c * CHUNK, CHUNK)], wsems[b]).wait()

    for b in range(NBUF):
        gstart(b, b)

    def body(i, carry):
        j = NBUF * i
        for b in range(NBUF):
            gwait(b)
            wstart(j + b, b)
        for b in range(NBUF):
            wwait(j + b, b)
            gstart(j + b + NBUF, b)
        return carry

    lax.fori_loop(0, n_chunks // NBUF - 1, body, 0)

    j = n_chunks - NBUF
    for b in range(NBUF):
        gwait(b)
        wstart(j + b, b)
    for b in range(NBUF):
        wwait(j + b, b)


def _gather_rows(table, idx2d, n_chunks):
    rows = NW * n_chunks * CHUNK
    mesh = plsc.VectorSubcoreMesh(core_axis_name="c", subcore_axis_name="s")
    k = pl.kernel(
        functools.partial(_gather_body, n_chunks),
        mesh=mesh,
        out_type=jax.ShapeDtypeStruct((rows, OUT_DIM), jnp.float32),
        scratch_types=(
            [pltpu.VMEM((n_chunks * CHUNK,), jnp.int32)]
            + [pltpu.VMEM((CHUNK, OUT_DIM), jnp.float32)] * NBUF
            + [pltpu.SemaphoreType.DMA] * (2 * NBUF)
        ),
        compiler_params=pltpu.CompilerParams(needs_layout_passes=False),
    )
    return k(table, idx2d)


def kernel(QR, symbols, W, b):
    batch, seq = QR.shape
    rows = batch * seq
    n_chunks = rows // (NW * CHUNK)
    assert rows == NW * n_chunks * CHUNK and n_chunks % NBUF == 0

    vocab = symbols.shape[0]
    table = _make_table(symbols, W, b)
    idx2d = QR.astype(jnp.int32).reshape(NW, n_chunks * CHUNK)
    idx2d = idx2d + (jnp.arange(NW, dtype=jnp.int32) * vocab)[:, None]
    out = _gather_rows(table, idx2d, n_chunks)
    return out.reshape(batch, seq, OUT_DIM)

# --- scband reference (transcript-rebuilt; emitter-appended) ---
"""Pipeline reference for scband-unifont-module-53120155517463 (READ-ONLY COPY).

The authoritative reference and input builder live on the scoring server;
editing this copy changes nothing except your own understanding.
"""

import jax, jax.numpy as jnp
import numpy as np

VOCAB = 96  # 95 alphabet chars + 1 zero padding row at index 0
GLYPH_DIM = 256  # 16x16 unifont glyph, flattened
OUT_DIM = 512
BATCH = 4096
SEQ = 200


def setup_inputs(seed: int = 0) -> dict:
    key = jax.random.key(seed)
    k1, k2, k3 = jax.random.split(key, 3)
    QR = jax.random.randint(k1, (BATCH, SEQ), 0, VOCAB, dtype=jnp.int64 if jax.config.jax_enable_x64 else jnp.int32)
    # symbols_repr: fixed (non-learned in torch, but a float buffer) glyph table; row 0 is zeros padding
    symbols = jax.random.uniform(k2, (VOCAB, GLYPH_DIM), dtype=jnp.float32)
    symbols = symbols.at[0].set(0.0)
    # linear layer params (torch.nn.Linear(GLYPH_DIM, OUT_DIM))
    limit = 1.0 / np.sqrt(GLYPH_DIM)
    W = jax.random.uniform(k3, (GLYPH_DIM, OUT_DIM), minval=-limit, maxval=limit, dtype=jnp.float32)
    b = jax.random.uniform(jax.random.fold_in(k3, 1), (OUT_DIM,), minval=-limit, maxval=limit, dtype=jnp.float32)
    return {"QR": QR, "symbols": symbols, "W": W, "b": b}


def reference(QR, symbols, W, b):
    # self.symbols_repr[QR] -> gather rows, then linear projection
    gathered = jnp.take(symbols, QR, axis=0)  # [B, S, GLYPH_DIM]
    out = jnp.dot(gathered, W) + b            # [B, S, OUT_DIM]
    return out

if __name__ == "__main__":
    import jax
    _d = setup_inputs()
    print(jax.jit(kernel)(*tuple(_d.values())))

</pallas_src>

<mosaic_0001>
#map = affine_map<(d0, d1) -> (0, 0)>
module attributes {stable_mosaic.version = 14 : i64} {
  func.func @_gather_body(%arg0: i32, %arg1: i32, %arg2: memref<3072x512xf32, #tpu.memory_space<hbm>>, %arg3: memref<32x25600xi32, #tpu.memory_space<hbm>>, %arg4: memref<819200x512xf32, #tpu.memory_space<hbm>>, %arg5: memref<25600xi32, #tpu.memory_space<vmem>>, %arg6: memref<16x512xf32, #tpu.memory_space<vmem>>, %arg7: memref<16x512xf32, #tpu.memory_space<vmem>>, %arg8: memref<16x512xf32, #tpu.memory_space<vmem>>, %arg9: memref<16x512xf32, #tpu.memory_space<vmem>>, %arg10: memref<16x512xf32, #tpu.memory_space<vmem>>, %arg11: memref<16x512xf32, #tpu.memory_space<vmem>>, %arg12: memref<16x512xf32, #tpu.memory_space<vmem>>, %arg13: memref<16x512xf32, #tpu.memory_space<vmem>>, %arg14: memref<!tpu.dma_semaphore, #tpu.memory_space<semaphore_mem>>, %arg15: memref<!tpu.dma_semaphore, #tpu.memory_space<semaphore_mem>>, %arg16: memref<!tpu.dma_semaphore, #tpu.memory_space<semaphore_mem>>, %arg17: memref<!tpu.dma_semaphore, #tpu.memory_space<semaphore_mem>>, %arg18: memref<!tpu.dma_semaphore, #tpu.memory_space<semaphore_mem>>, %arg19: memref<!tpu.dma_semaphore, #tpu.memory_space<semaphore_mem>>, %arg20: memref<!tpu.dma_semaphore, #tpu.memory_space<semaphore_mem>>, %arg21: memref<!tpu.dma_semaphore, #tpu.memory_space<semaphore_mem>>, %arg22: memref<!tpu.dma_semaphore, #tpu.memory_space<semaphore_mem>>, %arg23: memref<!tpu.dma_semaphore, #tpu.memory_space<semaphore_mem>>, %arg24: memref<!tpu.dma_semaphore, #tpu.memory_space<semaphore_mem>>, %arg25: memref<!tpu.dma_semaphore, #tpu.memory_space<semaphore_mem>>, %arg26: memref<!tpu.dma_semaphore, #tpu.memory_space<semaphore_mem>>, %arg27: memref<!tpu.dma_semaphore, #tpu.memory_space<semaphore_mem>>, %arg28: memref<!tpu.dma_semaphore, #tpu.memory_space<semaphore_mem>>, %arg29: memref<!tpu.dma_semaphore, #tpu.memory_space<semaphore_mem>>) attributes {dimension_semantics = [#tpu.dimension_semantics<core_parallel>, #tpu.dimension_semantics<subcore_parallel>], iteration_bounds = array<i64: 2, 16>, scalar_prefetch = 0 : i64, scratch_operands = 25 : i64, tpu.core_type = #tpu.core_type<sc_vector_subcore>, window_params = [{transform_indices = #map}, {transform_indices = #map}, {transform_indices = #map}]} {
    %mul3A = arith.constant 2 : i32
    %mul3A_0 = arith.muli %arg1, %mul3A : i32
    %add3A = arith.addi %mul3A_0, %arg0 : i32
    %mul3A_1 = arith.constant 25600 : i32
    %mul3A_2 = arith.muli %add3A, %mul3A_1 : i32
    "tpu.region"() ({
      %run_scoped3A = tpu.sem_alloc : memref<!tpu.dma_semaphore, #tpu.memory_space<semaphore_mem>>
      %dma_start3A_182 = arith.constant 0 : i32
      %dma_start3A_183 = tpu.memref_slice %arg3[%add3A, %dma_start3A_182] : memref<32x25600xi32, #tpu.memory_space<hbm>> -> memref<1x25600xi32, #tpu.memory_space<hbm>>
      %dma_start3A_184 = tpu.memref_squeeze %dma_start3A_183 : memref<1x25600xi32, #tpu.memory_space<hbm>> -> memref<25600xi32, #tpu.memory_space<hbm>>
      %dma_start3A_185 = arith.constant 0 : i32
      %dma_start3A_186 = tpu.memref_slice %arg3[%add3A, %dma_start3A_185] : memref<32x25600xi32, #tpu.memory_space<hbm>> -> memref<1x25600xi32, #tpu.memory_space<hbm>>
      %dma_start3A_187 = tpu.memref_squeeze %dma_start3A_186 : memref<1x25600xi32, #tpu.memory_space<hbm>> -> memref<25600xi32, #tpu.memory_space<hbm>>
      tpu.enqueue_dma source(%dma_start3A_187 : memref<25600xi32, #tpu.memory_space<hbm>>) target(%arg5 : memref<25600xi32, #tpu.memory_space<vmem>>) target_semaphore(%run_scoped3A : memref<!tpu.dma_semaphore, #tpu.memory_space<semaphore_mem>>)
      %dma_wait3A_188 = arith.constant 0 : i32
      %dma_wait3A_189 = tpu.memref_slice %arg3[%add3A, %dma_wait3A_188] : memref<32x25600xi32, #tpu.memory_space<hbm>> -> memref<1x25600xi32, #tpu.memory_space<hbm>>
      %dma_wait3A_190 = tpu.memref_squeeze %dma_wait3A_189 : memref<1x25600xi32, #tpu.memory_space<hbm>> -> memref<25600xi32, #tpu.memory_space<hbm>>
      %dma_wait3A_191 = arith.constant 0 : i32
      %dma_wait3A_192 = tpu.memref_slice %arg3[%add3A, %dma_wait3A_191] : memref<32x25600xi32, #tpu.memory_space<hbm>> -> memref<1x25600xi32, #tpu.memory_space<hbm>>
      %dma_wait3A_193 = tpu.memref_squeeze %dma_wait3A_192 : memref<1x25600xi32, #tpu.memory_space<hbm>> -> memref<25600xi32, #tpu.memory_space<hbm>>
      tpu.wait_dma2 semaphore(%run_scoped3A : memref<!tpu.dma_semaphore, #tpu.memory_space<semaphore_mem>>) src(%dma_wait3A_193 : memref<25600xi32, #tpu.memory_space<hbm>>) dst(%arg5 : memref<25600xi32, #tpu.memory_space<vmem>>)
      tpu.yield
    }) : () -> ()
    %dma_start3A = arith.constant 0 : i32
    %dma_start3A_3 = tpu.memref_slice %arg5[%dma_start3A] : memref<25600xi32, #tpu.memory_space<vmem>> -> memref<16xi32, #tpu.memory_space<vmem>>
    %dma_start3A_4 = arith.constant 0 : i32
    %dma_start3A_5 = arith.constant 0 : i32
    %dma_start3A_6 = tpu.memref_slice %arg2[%dma_start3A_4, %dma_start3A_5] : memref<3072x512xf32, #tpu.memory_space<hbm>> -> memref<3072x512xf32, #tpu.memory_space<hbm>>
    tpu.enqueue_indirect_dma source(%dma_start3A_6 : memref<3072x512xf32, #tpu.memory_space<hbm>>) target(%arg6 : memref<16x512xf32, #tpu.memory_space<vmem>>) offsets(%dma_start3A_3 : memref<16xi32, #tpu.memory_space<vmem>>) semaphore(%arg14 : memref<!tpu.dma_semaphore, #tpu.memory_space<semaphore_mem>>)
    %dma_start3A_7 = arith.constant 16 : i32
    %dma_start3A_8 = tpu.memref_slice %arg5[%dma_start3A_7] : memref<25600xi32, #tpu.memory_space<vmem>> -> memref<16xi32, #tpu.memory_space<vmem>>
    %dma_start3A_9 = arith.constant 0 : i32
    %dma_start3A_10 = arith.constant 0 : i32
    %dma_start3A_11 = tpu.memref_slice %arg2[%dma_start3A_9, %dma_start3A_10] : memref<3072x512xf32, #tpu.memory_space<hbm>> -> memref<3072x512xf32, #tpu.memory_space<hbm>>
    tpu.enqueue_indirect_dma source(%dma_start3A_11 : memref<3072x512xf32, #tpu.memory_space<hbm>>) target(%arg7 : memref<16x512xf32, #tpu.memory_space<vmem>>) offsets(%dma_start3A_8 : memref<16xi32, #tpu.memory_space<vmem>>) semaphore(%arg15 : memref<!tpu.dma_semaphore, #tpu.memory_space<semaphore_mem>>)
    %dma_start3A_12 = arith.constant 32 : i32
    %dma_start3A_13 = tpu.memref_slice %arg5[%dma_start3A_12] : memref<25600xi32, #tpu.memory_space<vmem>> -> memref<16xi32, #tpu.memory_space<vmem>>
    %dma_start3A_14 = arith.constant 0 : i32
    %dma_start3A_15 = arith.constant 0 : i32
    %dma_start3A_16 = tpu.memref_slice %arg2[%dma_start3A_14, %dma_start3A_15] : memref<3072x512xf32, #tpu.memory_space<hbm>> -> memref<3072x512xf32, #tpu.memory_space<hbm>>
    tpu.enqueue_indirect_dma source(%dma_start3A_16 : memref<3072x512xf32, #tpu.memory_space<hbm>>) target(%arg8 : memref<16x512xf32, #tpu.memory_space<vmem>>) offsets(%dma_start3A_13 : memref<16xi32, #tpu.memory_space<vmem>>) semaphore(%arg16 : memref<!tpu.dma_semaphore, #tpu.memory_space<semaphore_mem>>)
    %dma_start3A_17 = arith.constant 48 : i32
    %dma_start3A_18 = tpu.memref_slice %arg5[%dma_start3A_17] : memref<25600xi32, #tpu.memory_space<vmem>> -> memref<16xi32, #tpu.memory_space<vmem>>
    %dma_start3A_19 = arith.constant 0 : i32
    %dma_start3A_20 = arith.constant 0 : i32
    %dma_start3A_21 = tpu.memref_slice %arg2[%dma_start3A_19, %dma_start3A_20] : memref<3072x512xf32, #tpu.memory_space<hbm>> -> memref<3072x512xf32, #tpu.memory_space<hbm>>
    tpu.enqueue_indirect_dma source(%dma_start3A_21 : memref<3072x512xf32, #tpu.memory_space<hbm>>) target(%arg9 : memref<16x512xf32, #tpu.memory_space<vmem>>) offsets(%dma_start3A_18 : memref<16xi32, #tpu.memory_space<vmem>>) semaphore(%arg17 : memref<!tpu.dma_semaphore, #tpu.memory_space<semaphore_mem>>)
    %dma_start3A_22 = arith.constant 64 : i32
    %dma_start3A_23 = tpu.memref_slice %arg5[%dma_start3A_22] : memref<25600xi32, #tpu.memory_space<vmem>> -> memref<16xi32, #tpu.memory_space<vmem>>
    %dma_start3A_24 = arith.constant 0 : i32
    %dma_start3A_25 = arith.constant 0 : i32
    %dma_start3A_26 = tpu.memref_slice %arg2[%dma_start3A_24, %dma_start3A_25] : memref<3072x512xf32, #tpu.memory_space<hbm>> -> memref<3072x512xf32, #tpu.memory_space<hbm>>
    tpu.enqueue_indirect_dma source(%dma_start3A_26 : memref<3072x512xf32, #tpu.memory_space<hbm>>) target(%arg10 : memref<16x512xf32, #tpu.memory_space<vmem>>) offsets(%dma_start3A_23 : memref<16xi32, #tpu.memory_space<vmem>>) semaphore(%arg18 : memref<!tpu.dma_semaphore, #tpu.memory_space<semaphore_mem>>)
    %dma_start3A_27 = arith.constant 80 : i32
    %dma_start3A_28 = tpu.memref_slice %arg5[%dma_start3A_27] : memref<25600xi32, #tpu.memory_space<vmem>> -> memref<16xi32, #tpu.memory_space<vmem>>
    %dma_start3A_29 = arith.constant 0 : i32
    %dma_start3A_30 = arith.constant 0 : i32
    %dma_start3A_31 = tpu.memref_slice %arg2[%dma_start3A_29, %dma_start3A_30] : memref<3072x512xf32, #tpu.memory_space<hbm>> -> memref<3072x512xf32, #tpu.memory_space<hbm>>
    tpu.enqueue_indirect_dma source(%dma_start3A_31 : memref<3072x512xf32, #tpu.memory_space<hbm>>) target(%arg11 : memref<16x512xf32, #tpu.memory_space<vmem>>) offsets(%dma_start3A_28 : memref<16xi32, #tpu.memory_space<vmem>>) semaphore(%arg19 : memref<!tpu.dma_semaphore, #tpu.memory_space<semaphore_mem>>)
    %dma_start3A_32 = arith.constant 96 : i32
    %dma_start3A_33 = tpu.memref_slice %arg5[%dma_start3A_32] : memref<25600xi32, #tpu.memory_space<vmem>> -> memref<16xi32, #tpu.memory_space<vmem>>
    %dma_start3A_34 = arith.constant 0 : i32
    %dma_start3A_35 = arith.constant 0 : i32
    %dma_start3A_36 = tpu.memref_slice %arg2[%dma_start3A_34, %dma_start3A_35] : memref<3072x512xf32, #tpu.memory_space<hbm>> -> memref<3072x512xf32, #tpu.memory_space<hbm>>
    tpu.enqueue_indirect_dma source(%dma_start3A_36 : memref<3072x512xf32, #tpu.memory_space<hbm>>) target(%arg12 : memref<16x512xf32, #tpu.memory_space<vmem>>) offsets(%dma_start3A_33 : memref<16xi32, #tpu.memory_space<vmem>>) semaphore(%arg20 : memref<!tpu.dma_semaphore, #tpu.memory_space<semaphore_mem>>)
    %dma_start3A_37 = arith.constant 112 : i32
    %dma_start3A_38 = tpu.memref_slice %arg5[%dma_start3A_37] : memref<25600xi32, #tpu.memory_space<vmem>> -> memref<16xi32, #tpu.memory_space<vmem>>
    %dma_start3A_39 = arith.constant 0 : i32
    %dma_start3A_40 = arith.constant 0 : i32
    %dma_start3A_41 = tpu.memref_slice %arg2[%dma_start3A_39, %dma_start3A_40] : memref<3072x512xf32, #tpu.memory_space<hbm>> -> memref<3072x512xf32, #tpu.memory_space<hbm>>
    tpu.enqueue_indirect_dma source(%dma_start3A_41 : memref<3072x512xf32, #tpu.memory_space<hbm>>) target(%arg13 : memref<16x512xf32, #tpu.memory_space<vmem>>) offsets(%dma_start3A_38 : memref<16xi32, #tpu.memory_space<vmem>>) semaphore(%arg21 : memref<!tpu.dma_semaphore, #tpu.memory_space<semaphore_mem>>)
    %scan3A = arith.constant 0 : i32
    %scan3A_42 = arith.constant 0 : i32
    %scan3A_43 = arith.constant 199 : i32
    %scan3A_44 = arith.addi %scan3A_42, %scan3A_43 : i32
    %scan3A_45 = arith.constant 1 : i32
    scf.for %scan3A_182 = %scan3A_42 to %scan3A_44 step %scan3A_45  : i32 {
      %mul3A_183 = arith.constant 8 : i32
      %mul3A_184 = arith.muli %mul3A_183, %scan3A_182 : i32
      %dma_wait3A_185 = arith.constant 0 : i32
      %dma_wait3A_186 = tpu.memref_slice %arg5[%dma_wait3A_185] : memref<25600xi32, #tpu.memory_space<vmem>> -> memref<16xi32, #tpu.memory_space<vmem>>
      %dma_wait3A_187 = arith.constant 0 : i32
      %dma_wait3A_188 = arith.constant 0 : i32
      %dma_wait3A_189 = tpu.memref_slice %arg2[%dma_wait3A_187, %dma_wait3A_188] : memref<3072x512xf32, #tpu.memory_space<hbm>> -> memref<3072x512xf32, #tpu.memory_space<hbm>>
      tpu.wait_indirect_dma semaphore(%arg14 : memref<!tpu.dma_semaphore, #tpu.memory_space<semaphore_mem>>) src(%dma_wait3A_189 : memref<3072x512xf32, #tpu.memory_space<hbm>>) dst(%arg6 : memref<16x512xf32, #tpu.memory_space<vmem>>)
      %add3A_190 = arith.constant 0 : i32
      %add3A_191 = arith.addi %mul3A_184, %add3A_190 : i32
      %mul3A_192 = arith.constant 16 : i32
      %mul3A_193 = arith.muli %add3A_191, %mul3A_192 : i32
      %add3A_194 = arith.addi %mul3A_2, %mul3A_193 : i32
      %dma_start3A_195 = arith.constant 0 : i32
      %dma_start3A_196 = tpu.memref_slice %arg4[%add3A_194, %dma_start3A_195] : memref<819200x512xf32, #tpu.memory_space<hbm>> -> memref<16x512xf32, #tpu.memory_space<hbm>>
      %dma_start3A_197 = arith.constant 0 : i32
      %dma_start3A_198 = tpu.memref_slice %arg4[%add3A_194, %dma_start3A_197] : memref<819200x512xf32, #tpu.memory_space<hbm>> -> memref<16x512xf32, #tpu.memory_space<hbm>>
      tpu.enqueue_dma source(%arg6 : memref<16x512xf32, #tpu.memory_space<vmem>>) target(%dma_start3A_198 : memref<16x512xf32, #tpu.memory_space<hbm>>) target_semaphore(%arg22 : memref<!tpu.dma_semaphore, #tpu.memory_space<semaphore_mem>>)
      %dma_wait3A_199 = arith.constant 0 : i32
      %dma_wait3A_200 = tpu.memref_slice %arg5[%dma_wait3A_199] : memref<25600xi32, #tpu.memory_space<vmem>> -> memref<16xi32, #tpu.memory_space<vmem>>
      %dma_wait3A_201 = arith.constant 0 : i32
      %dma_wait3A_202 = arith.constant 0 : i32
      %dma_wait3A_203 = tpu.memref_slice %arg2[%dma_wait3A_201, %dma_wait3A_202] : memref<3072x512xf32, #tpu.memory_space<hbm>> -> memref<3072x512xf32, #tpu.memory_space<hbm>>
      tpu.wait_indirect_dma semaphore(%arg15 : memref<!tpu.dma_semaphore, #tpu.memory_space<semaphore_mem>>) src(%dma_wait3A_203 : memref<3072x512xf32, #tpu.memory_space<hbm>>) dst(%arg7 : memref<16x512xf32, #tpu.memory_space<vmem>>)
      %add3A_204 = arith.constant 1 : i32
      %add3A_205 = arith.addi %mul3A_184, %add3A_204 : i32
      %mul3A_206 = arith.constant 16 : i32
      %mul3A_207 = arith.muli %add3A_205, %mul3A_206 : i32
      %add3A_208 = arith.addi %mul3A_2, %mul3A_207 : i32
      %dma_start3A_209 = arith.constant 0 : i32
      %dma_start3A_210 = tpu.memref_slice %arg4[%add3A_208, %dma_start3A_209] : memref<819200x512xf32, #tpu.memory_space<hbm>> -> memref<16x512xf32, #tpu.memory_space<hbm>>
      %dma_start3A_211 = arith.constant 0 : i32
      %dma_start3A_212 = tpu.memref_slice %arg4[%add3A_208, %dma_start3A_211] : memref<819200x512xf32, #tpu.memory_space<hbm>> -> memref<16x512xf32, #tpu.memory_space<hbm>>
      tpu.enqueue_dma source(%arg7 : memref<16x512xf32, #tpu.memory_space<vmem>>) target(%dma_start3A_212 : memref<16x512xf32, #tpu.memory_space<hbm>>) target_semaphore(%arg23 : memref<!tpu.dma_semaphore, #tpu.memory_space<semaphore_mem>>)
      %dma_wait3A_213 = arith.constant 0 : i32
      %dma_wait3A_214 = tpu.memref_slice %arg5[%dma_wait3A_213] : memref<25600xi32, #tpu.memory_space<vmem>> -> memref<16xi32, #tpu.memory_space<vmem>>
      %dma_wait3A_215 = arith.constant 0 : i32
      %dma_wait3A_216 = arith.constant 0 : i32
      %dma_wait3A_217 = tpu.memref_slice %arg2[%dma_wait3A_215, %dma_wait3A_216] : memref<3072x512xf32, #tpu.memory_space<hbm>> -> memref<3072x512xf32, #tpu.memory_space<hbm>>
      tpu.wait_indirect_dma semaphore(%arg16 : memref<!tpu.dma_semaphore, #tpu.memory_space<semaphore_mem>>) src(%dma_wait3A_217 : memref<3072x512xf32, #tpu.memory_space<hbm>>) dst(%arg8 : memref<16x512xf32, #tpu.memory_space<vmem>>)
      %add3A_218 = arith.constant 2 : i32
      %add3A_219 = arith.addi %mul3A_184, %add3A_218 : i32
      %mul3A_220 = arith.constant 16 : i32
      %mul3A_221 = arith.muli %add3A_219, %mul3A_220 : i32
      %add3A_222 = arith.addi %mul3A_2, %mul3A_221 : i32
      %dma_start3A_223 = arith.constant 0 : i32
      %dma_start3A_224 = tpu.memref_slice %arg4[%add3A_222, %dma_start3A_223] : memref<819200x512xf32, #tpu.memory_space<hbm>> -> memref<16x512xf32, #tpu.memory_space<hbm>>
      %dma_start3A_225 = arith.constant 0 : i32
      %dma_start3A_226 = tpu.memref_slice %arg4[%add3A_222, %dma_start3A_225] : memref<819200x512xf32, #tpu.memory_space<hbm>> -> memref<16x512xf32, #tpu.memory_space<hbm>>
      tpu.enqueue_dma source(%arg8 : memref<16x512xf32, #tpu.memory_space<vmem>>) target(%dma_start3A_226 : memref<16x512xf32, #tpu.memory_space<hbm>>) target_semaphore(%arg24 : memref<!tpu.dma_semaphore, #tpu.memory_space<semaphore_mem>>)
      %dma_wait3A_227 = arith.constant 0 : i32
      %dma_wait3A_228 = tpu.memref_slice %arg5[%dma_wait3A_227] : memref<25600xi32, #tpu.memory_space<vmem>> -> memref<16xi32, #tpu.memory_space<vmem>>
      %dma_wait3A_229 = arith.constant 0 : i32
      %dma_wait3A_230 = arith.constant 0 : i32
      %dma_wait3A_231 = tpu.memref_slice %arg2[%dma_wait3A_229, %dma_wait3A_230] : memref<3072x512xf32, #tpu.memory_space<hbm>> -> memref<3072x512xf32, #tpu.memory_space<hbm>>
      tpu.wait_indirect_dma semaphore(%arg17 : memref<!tpu.dma_semaphore, #tpu.memory_space<semaphore_mem>>) src(%dma_wait3A_231 : memref<3072x512xf32, #tpu.memory_space<hbm>>) dst(%arg9 : memref<16x512xf32, #tpu.memory_space<vmem>>)
      %add3A_232 = arith.constant 3 : i32
      %add3A_233 = arith.addi %mul3A_184, %add3A_232 : i32
      %mul3A_234 = arith.constant 16 : i32
      %mul3A_235 = arith.muli %add3A_233, %mul3A_234 : i32
      %add3A_236 = arith.addi %mul3A_2, %mul3A_235 : i32
      %dma_start3A_237 = arith.constant 0 : i32
      %dma_start3A_238 = tpu.memref_slice %arg4[%add3A_236, %dma_start3A_237] : memref<819200x512xf32, #tpu.memory_space<hbm>> -> memref<16x512xf32, #tpu.memory_space<hbm>>
      %dma_start3A_239 = arith.constant 0 : i32
      %dma_start3A_240 = tpu.memref_slice %arg4[%add3A_236, %dma_start3A_239] : memref<819200x512xf32, #tpu.memory_space<hbm>> -> memref<16x512xf32, #tpu.memory_space<hbm>>
      tpu.enqueue_dma source(%arg9 : memref<16x512xf32, #tpu.memory_space<vmem>>) target(%dma_start3A_240 : memref<16x512xf32, #tpu.memory_space<hbm>>) target_semaphore(%arg25 : memref<!tpu.dma_semaphore, #tpu.memory_space<semaphore_mem>>)
      %dma_wait3A_241 = arith.constant 0 : i32
      %dma_wait3A_242 = tpu.memref_slice %arg5[%dma_wait3A_241] : memref<25600xi32, #tpu.memory_space<vmem>> -> memref<16xi32, #tpu.memory_space<vmem>>
      %dma_wait3A_243 = arith.constant 0 : i32
      %dma_wait3A_244 = arith.constant 0 : i32
      %dma_wait3A_245 = tpu.memref_slice %arg2[%dma_wait3A_243, %dma_wait3A_244] : memref<3072x512xf32, #tpu.memory_space<hbm>> -> memref<3072x512xf32, #tpu.memory_space<hbm>>
      tpu.wait_indirect_dma semaphore(%arg18 : memref<!tpu.dma_semaphore, #tpu.memory_space<semaphore_mem>>) src(%dma_wait3A_245 : memref<3072x512xf32, #tpu.memory_space<hbm>>) dst(%arg10 : memref<16x512xf32, #tpu.memory_space<vmem>>)
      %add3A_246 = arith.constant 4 : i32
      %add3A_247 = arith.addi %mul3A_184, %add3A_246 : i32
      %mul3A_248 = arith.constant 16 : i32
      %mul3A_249 = arith.muli %add3A_247, %mul3A_248 : i32
      %add3A_250 = arith.addi %mul3A_2, %mul3A_249 : i32
      %dma_start3A_251 = arith.constant 0 : i32
      %dma_start3A_252 = tpu.memref_slice %arg4[%add3A_250, %dma_start3A_251] : memref<819200x512xf32, #tpu.memory_space<hbm>> -> memref<16x512xf32, #tpu.memory_space<hbm>>
      %dma_start3A_253 = arith.constant 0 : i32
      %dma_start3A_254 = tpu.memref_slice %arg4[%add3A_250, %dma_start3A_253] : memref<819200x512xf32, #tpu.memory_space<hbm>> -> memref<16x512xf32, #tpu.memory_space<hbm>>
      tpu.enqueue_dma source(%arg10 : memref<16x512xf32, #tpu.memory_space<vmem>>) target(%dma_start3A_254 : memref<16x512xf32, #tpu.memory_space<hbm>>) target_semaphore(%arg26 : memref<!tpu.dma_semaphore, #tpu.memory_space<semaphore_mem>>)
      %dma_wait3A_255 = arith.constant 0 : i32
      %dma_wait3A_256 = tpu.memref_slice %arg5[%dma_wait3A_255] : memref<25600xi32, #tpu.memory_space<vmem>> -> memref<16xi32, #tpu.memory_space<vmem>>
      %dma_wait3A_257 = arith.constant 0 : i32
      %dma_wait3A_258 = arith.constant 0 : i32
      %dma_wait3A_259 = tpu.memref_slice %arg2[%dma_wait3A_257, %dma_wait3A_258] : memref<3072x512xf32, #tpu.memory_space<hbm>> -> memref<3072x512xf32, #tpu.memory_space<hbm>>
      tpu.wait_indirect_dma semaphore(%arg19 : memref<!tpu.dma_semaphore, #tpu.memory_space<semaphore_mem>>) src(%dma_wait3A_259 : memref<3072x512xf32, #tpu.memory_space<hbm>>) dst(%arg11 : memref<16x512xf32, #tpu.memory_space<vmem>>)
      %add3A_260 = arith.constant 5 : i32
      %add3A_261 = arith.addi %mul3A_184, %add3A_260 : i32
      %mul3A_262 = arith.constant 16 : i32
      %mul3A_263 = arith.muli %add3A_261, %mul3A_262 : i32
      %add3A_264 = arith.addi %mul3A_2, %mul3A_263 : i32
      %dma_start3A_265 = arith.constant 0 : i32
      %dma_start3A_266 = tpu.memref_slice %arg4[%add3A_264, %dma_start3A_265] : memref<819200x512xf32, #tpu.memory_space<hbm>> -> memref<16x512xf32, #tpu.memory_space<hbm>>
      %dma_start3A_267 = arith.constant 0 : i32
      %dma_start3A_268 = tpu.memref_slice %arg4[%add3A_264, %dma_start3A_267] : memref<819200x512xf32, #tpu.memory_space<hbm>> -> memref<16x512xf32, #tpu.memory_space<hbm>>
      tpu.enqueue_dma source(%arg11 : memref<16x512xf32, #tpu.memory_space<vmem>>) target(%dma_start3A_268 : memref<16x512xf32, #tpu.memory_space<hbm>>) target_semaphore(%arg27 : memref<!tpu.dma_semaphore, #tpu.memory_space<semaphore_mem>>)
      %dma_wait3A_269 = arith.constant 0 : i32
      %dma_wait3A_270 = tpu.memref_slice %arg5[%dma_wait3A_269] : memref<25600xi32, #tpu.memory_space<vmem>> -> memref<16xi32, #tpu.memory_space<vmem>>
      %dma_wait3A_271 = arith.constant 0 : i32
      %dma_wait3A_272 = arith.constant 0 : i32
      %dma_wait3A_273 = tpu.memref_slice %arg2[%dma_wait3A_271, %dma_wait3A_272] : memref<3072x512xf32, #tpu.memory_space<hbm>> -> memref<3072x512xf32, #tpu.memory_space<hbm>>
      tpu.wait_indirect_dma semaphore(%arg20 : memref<!tpu.dma_semaphore, #tpu.memory_space<semaphore_mem>>) src(%dma_wait3A_273 : memref<3072x512xf32, #tpu.memory_space<hbm>>) dst(%arg12 : memref<16x512xf32, #tpu.memory_space<vmem>>)
      %add3A_274 = arith.constant 6 : i32
      %add3A_275 = arith.addi %mul3A_184, %add3A_274 : i32
      %mul3A_276 = arith.constant 16 : i32
      %mul3A_277 = arith.muli %add3A_275, %mul3A_276 : i32
      %add3A_278 = arith.addi %mul3A_2, %mul3A_277 : i32
      %dma_start3A_279 = arith.constant 0 : i32
      %dma_start3A_280 = tpu.memref_slice %arg4[%add3A_278, %dma_start3A_279] : memref<819200x512xf32, #tpu.memory_space<hbm>> -> memref<16x512xf32, #tpu.memory_space<hbm>>
      %dma_start3A_281 = arith.constant 0 : i32
      %dma_start3A_282 = tpu.memref_slice %arg4[%add3A_278, %dma_start3A_281] : memref<819200x512xf32, #tpu.memory_space<hbm>> -> memref<16x512xf32, #tpu.memory_space<hbm>>
      tpu.enqueue_dma source(%arg12 : memref<16x512xf32, #tpu.memory_space<vmem>>) target(%dma_start3A_282 : memref<16x512xf32, #tpu.memory_space<hbm>>) target_semaphore(%arg28 : memref<!tpu.dma_semaphore, #tpu.memory_space<semaphore_mem>>)
      %dma_wait3A_283 = arith.constant 0 : i32
      %dma_wait3A_284 = tpu.memref_slice %arg5[%dma_wait3A_283] : memref<25600xi32, #tpu.memory_space<vmem>> -> memref<16xi32, #tpu.memory_space<vmem>>
      %dma_wait3A_285 = arith.constant 0 : i32
      %dma_wait3A_286 = arith.constant 0 : i32
      %dma_wait3A_287 = tpu.memref_slice %arg2[%dma_wait3A_285, %dma_wait3A_286] : memref<3072x512xf32, #tpu.memory_space<hbm>> -> memref<3072x512xf32, #tpu.memory_space<hbm>>
      tpu.wait_indirect_dma semaphore(%arg21 : memref<!tpu.dma_semaphore, #tpu.memory_space<semaphore_mem>>) src(%dma_wait3A_287 : memref<3072x512xf32, #tpu.memory_space<hbm>>) dst(%arg13 : memref<16x512xf32, #tpu.memory_space<vmem>>)
      %add3A_288 = arith.constant 7 : i32
      %add3A_289 = arith.addi %mul3A_184, %add3A_288 : i32
      %mul3A_290 = arith.constant 16 : i32
      %mul3A_291 = arith.muli %add3A_289, %mul3A_290 : i32
      %add3A_292 = arith.addi %mul3A_2, %mul3A_291 : i32
      %dma_start3A_293 = arith.constant 0 : i32
      %dma_start3A_294 = tpu.memref_slice %arg4[%add3A_292, %dma_start3A_293] : memref<819200x512xf32, #tpu.memory_space<hbm>> -> memref<16x512xf32, #tpu.memory_space<hbm>>
      %dma_start3A_295 = arith.constant 0 : i32
      %dma_start3A_296 = tpu.memref_slice %arg4[%add3A_292, %dma_start3A_295] : memref<819200x512xf32, #tpu.memory_space<hbm>> -> memref<16x512xf32, #tpu.memory_space<hbm>>
      tpu.enqueue_dma source(%arg13 : memref<16x512xf32, #tpu.memory_space<vmem>>) target(%dma_start3A_296 : memref<16x512xf32, #tpu.memory_space<hbm>>) target_semaphore(%arg29 : memref<!tpu.dma_semaphore, #tpu.memory_space<semaphore_mem>>)
      %add3A_297 = arith.constant 0 : i32
      %add3A_298 = arith.addi %mul3A_184, %add3A_297 : i32
      %mul3A_299 = arith.constant 16 : i32
      %mul3A_300 = arith.muli %add3A_298, %mul3A_299 : i32
      %add3A_301 = arith.addi %mul3A_2, %mul3A_300 : i32
      %dma_wait3A_302 = arith.constant 0 : i32
      %dma_wait3A_303 = tpu.memref_slice %arg4[%add3A_301, %dma_wait3A_302] : memref<819200x512xf32, #tpu.memory_space<hbm>> -> memref<16x512xf32, #tpu.memory_space<hbm>>
      %dma_wait3A_304 = arith.constant 0 : i32
      %dma_wait3A_305 = tpu.memref_slice %arg4[%add3A_301, %dma_wait3A_304] : memref<819200x512xf32, #tpu.memory_space<hbm>> -> memref<16x512xf32, #tpu.memory_space<hbm>>
      tpu.wait_dma2 semaphore(%arg22 : memref<!tpu.dma_semaphore, #tpu.memory_space<semaphore_mem>>) src(%arg6 : memref<16x512xf32, #tpu.memory_space<vmem>>) dst(%dma_wait3A_305 : memref<16x512xf32, #tpu.memory_space<hbm>>)
      %add3A_306 = arith.constant 0 : i32
      %add3A_307 = arith.addi %mul3A_184, %add3A_306 : i32
      %add3A_308 = arith.constant 8 : i32
      %add3A_309 = arith.addi %add3A_307, %add3A_308 : i32
      %mul3A_310 = arith.constant 16 : i32
      %mul3A_311 = arith.muli %add3A_309, %mul3A_310 : i32
      %dma_start3A_312 = tpu.memref_slice %arg5[%mul3A_311] : memref<25600xi32, #tpu.memory_space<vmem>> -> memref<16xi32, #tpu.memory_space<vmem>>
      %dma_start3A_313 = arith.constant 0 : i32
      %dma_start3A_314 = arith.constant 0 : i32
      %dma_start3A_315 = tpu.memref_slice %arg2[%dma_start3A_313, %dma_start3A_314] : memref<3072x512xf32, #tpu.memory_space<hbm>> -> memref<3072x512xf32, #tpu.memory_space<hbm>>
      tpu.enqueue_indirect_dma source(%dma_start3A_315 : memref<3072x512xf32, #tpu.memory_space<hbm>>) target(%arg6 : memref<16x512xf32, #tpu.memory_space<vmem>>) offsets(%dma_start3A_312 : memref<16xi32, #tpu.memory_space<vmem>>) semaphore(%arg14 : memref<!tpu.dma_semaphore, #tpu.memory_space<semaphore_mem>>)
      %add3A_316 = arith.constant 1 : i32
      %add3A_317 = arith.addi %mul3A_184, %add3A_316 : i32
      %mul3A_318 = arith.constant 16 : i32
      %mul3A_319 = arith.muli %add3A_317, %mul3A_318 : i32
      %add3A_320 = arith.addi %mul3A_2, %mul3A_319 : i32
      %dma_wait3A_321 = arith.constant 0 : i32
      %dma_wait3A_322 = tpu.memref_slice %arg4[%add3A_320, %dma_wait3A_321] : memref<819200x512xf32, #tpu.memory_space<hbm>> -> memref<16x512xf32, #tpu.memory_space<hbm>>
      %dma_wait3A_323 = arith.constant 0 : i32
      %dma_wait3A_324 = tpu.memref_slice %arg4[%add3A_320, %dma_wait3A_323] : memref<819200x512xf32, #tpu.memory_space<hbm>> -> memref<16x512xf32, #tpu.memory_space<hbm>>
      tpu.wait_dma2 semaphore(%arg23 : memref<!tpu.dma_semaphore, #tpu.memory_space<semaphore_mem>>) src(%arg7 : memref<16x512xf32, #tpu.memory_space<vmem>>) dst(%dma_wait3A_324 : memref<16x512xf32, #tpu.memory_space<hbm>>)
      %add3A_325 = arith.constant 1 : i32
      %add3A_326 = arith.addi %mul3A_184, %add3A_325 : i32
      %add3A_327 = arith.constant 8 : i32
      %add3A_328 = arith.addi %add3A_326, %add3A_327 : i32
      %mul3A_329 = arith.constant 16 : i32
      %mul3A_330 = arith.muli %add3A_328, %mul3A_329 : i32
      %dma_start3A_331 = tpu.memref_slice %arg5[%mul3A_330] : memref<25600xi32, #tpu.memory_space<vmem>> -> memref<16xi32, #tpu.memory_space<vmem>>
      %dma_start3A_332 = arith.constant 0 : i32
      %dma_start3A_333 = arith.constant 0 : i32
      %dma_start3A_334 = tpu.memref_slice %arg2[%dma_start3A_332, %dma_start3A_333] : memref<3072x512xf32, #tpu.memory_space<hbm>> -> memref<3072x512xf32, #tpu.memory_space<hbm>>
      tpu.enqueue_indirect_dma source(%dma_start3A_334 : memref<3072x512xf32, #tpu.memory_space<hbm>>) target(%arg7 : memref<16x512xf32, #tpu.memory_space<vmem>>) offsets(%dma_start3A_331 : memref<16xi32, #tpu.memory_space<vmem>>) semaphore(%arg15 : memref<!tpu.dma_semaphore, #tpu.memory_space<semaphore_mem>>)
      %add3A_335 = arith.constant 2 : i32
      %add3A_336 = arith.addi %mul3A_184, %add3A_335 : i32
      %mul3A_337 = arith.constant 16 : i32
      %mul3A_338 = arith.muli %add3A_336, %mul3A_337 : i32
      %add3A_339 = arith.addi %mul3A_2, %mul3A_338 : i32
      %dma_wait3A_340 = arith.constant 0 : i32
      %dma_wait3A_341 = tpu.memref_slice %arg4[%add3A_339, %dma_wait3A_340] : memref<819200x512xf32, #tpu.memory_space<hbm>> -> memref<16x512xf32, #tpu.memory_space<hbm>>
      %dma_wait3A_342 = arith.constant 0 : i32
      %dma_wait3A_343 = tpu.memref_slice %arg4[%add3A_339, %dma_wait3A_342] : memref<819200x512xf32, #tpu.memory_space<hbm>> -> memref<16x512xf32, #tpu.memory_space<hbm>>
      tpu.wait_dma2 semaphore(%arg24 : memref<!tpu.dma_semaphore, #tpu.memory_space<semaphore_mem>>) src(%arg8 : memref<16x512xf32, #tpu.memory_space<vmem>>) dst(%dma_wait3A_343 : memref<16x512xf32, #tpu.memory_space<hbm>>)
      %add3A_344 = arith.constant 2 : i32
      %add3A_345 = arith.addi %mul3A_184, %add3A_344 : i32
      %add3A_346 = arith.constant 8 : i32
      %add3A_347 = arith.addi %add3A_345, %add3A_346 : i32
      %mul3A_348 = arith.constant 16 : i32
      %mul3A_349 = arith.muli %add3A_347, %mul3A_348 : i32
      %dma_start3A_350 = tpu.memref_slice %arg5[%mul3A_349] : memref<25600xi32, #tpu.memory_space<vmem>> -> memref<16xi32, #tpu.memory_space<vmem>>
      %dma_start3A_351 = arith.constant 0 : i32
      %dma_start3A_352 = arith.constant 0 : i32
      %dma_start3A_353 = tpu.memref_slice %arg2[%dma_start3A_351, %dma_start3A_352] : memref<3072x512xf32, #tpu.memory_space<hbm>> -> memref<3072x512xf32, #tpu.memory_space<hbm>>
      tpu.enqueue_indirect_dma source(%dma_start3A_353 : memref<3072x512xf32, #tpu.memory_space<hbm>>) target(%arg8 : memref<16x512xf32, #tpu.memory_space<vmem>>) offsets(%dma_start3A_350 : memref<16xi32, #tpu.memory_space<vmem>>) semaphore(%arg16 : memref<!tpu.dma_semaphore, #tpu.memory_space<semaphore_mem>>)
      %add3A_354 = arith.constant 3 : i32
      %add3A_355 = arith.addi %mul3A_184, %add3A_354 : i32
      %mul3A_356 = arith.constant 16 : i32
      %mul3A_357 = arith.muli %add3A_355, %mul3A_356 : i32
      %add3A_358 = arith.addi %mul3A_2, %mul3A_357 : i32
      %dma_wait3A_359 = arith.constant 0 : i32
      %dma_wait3A_360 = tpu.memref_slice %arg4[%add3A_358, %dma_wait3A_359] : memref<819200x512xf32, #tpu.memory_space<hbm>> -> memref<16x512xf32, #tpu.memory_space<hbm>>
      %dma_wait3A_361 = arith.constant 0 : i32
      %dma_wait3A_362 = tpu.memref_slice %arg4[%add3A_358, %dma_wait3A_361] : memref<819200x512xf32, #tpu.memory_space<hbm>> -> memref<16x512xf32, #tpu.memory_space<hbm>>
      tpu.wait_dma2 semaphore(%arg25 : memref<!tpu.dma_semaphore, #tpu.memory_space<semaphore_mem>>) src(%arg9 : memref<16x512xf32, #tpu.memory_space<vmem>>) dst(%dma_wait3A_362 : memref<16x512xf32, #tpu.memory_space<hbm>>)
      %add3A_363 = arith.constant 3 : i32
      %add3A_364 = arith.addi %mul3A_184, %add3A_363 : i32
      %add3A_365 = arith.constant 8 : i32
      %add3A_366 = arith.addi %add3A_364, %add3A_365 : i32
      %mul3A_367 = arith.constant 16 : i32
      %mul3A_368 = arith.muli %add3A_366, %mul3A_367 : i32
      %dma_start3A_369 = tpu.memref_slice %arg5[%mul3A_368] : memref<25600xi32, #tpu.memory_space<vmem>> -> memref<16xi32, #tpu.memory_space<vmem>>
      %dma_start3A_370 = arith.constant 0 : i32
      %dma_start3A_371 = arith.constant 0 : i32
      %dma_start3A_372 = tpu.memref_slice %arg2[%dma_start3A_370, %dma_start3A_371] : memref<3072x512xf32, #tpu.memory_space<hbm>> -> memref<3072x512xf32, #tpu.memory_space<hbm>>
      tpu.enqueue_indirect_dma source(%dma_start3A_372 : memref<3072x512xf32, #tpu.memory_space<hbm>>) target(%arg9 : memref<16x512xf32, #tpu.memory_space<vmem>>) offsets(%dma_start3A_369 : memref<16xi32, #tpu.memory_space<vmem>>) semaphore(%arg17 : memref<!tpu.dma_semaphore, #tpu.memory_space<semaphore_mem>>)
      %add3A_373 = arith.constant 4 : i32
      %add3A_374 = arith.addi %mul3A_184, %add3A_373 : i32
      %mul3A_375 = arith.constant 16 : i32
      %mul3A_376 = arith.muli %add3A_374, %mul3A_375 : i32
      %add3A_377 = arith.addi %mul3A_2, %mul3A_376 : i32
      %dma_wait3A_378 = arith.constant 0 : i32
      %dma_wait3A_379 = tpu.memref_slice %arg4[%add3A_377, %dma_wait3A_378] : memref<819200x512xf32, #tpu.memory_space<hbm>> -> memref<16x512xf32, #tpu.memory_space<hbm>>
      %dma_wait3A_380 = arith.constant 0 : i32
      %dma_wait3A_381 = tpu.memref_slice %arg4[%add3A_377, %dma_wait3A_380] : memref<819200x512xf32, #tpu.memory_space<hbm>> -> memref<16x512xf32, #tpu.memory_space<hbm>>
      tpu.wait_dma2 semaphore(%arg26 : memref<!tpu.dma_semaphore, #tpu.memory_space<semaphore_mem>>) src(%arg10 : memref<16x512xf32, #tpu.memory_space<vmem>>) dst(%dma_wait3A_381 : memref<16x512xf32, #tpu.memory_space<hbm>>)
      %add3A_382 = arith.constant 4 : i32
      %add3A_383 = arith.addi %mul3A_184, %add3A_382 : i32
      %add3A_384 = arith.constant 8 : i32
      %add3A_385 = arith.addi %add3A_383, %add3A_384 : i32
      %mul3A_386 = arith.constant 16 : i32
      %mul3A_387 = arith.muli %add3A_385, %mul3A_386 : i32
      %dma_start3A_388 = tpu.memref_slice %arg5[%mul3A_387] : memref<25600xi32, #tpu.memory_space<vmem>> -> memref<16xi32, #tpu.memory_space<vmem>>
      %dma_start3A_389 = arith.constant 0 : i32
      %dma_start3A_390 = arith.constant 0 : i32
      %dma_start3A_391 = tpu.memref_slice %arg2[%dma_start3A_389, %dma_start3A_390] : memref<3072x512xf32, #tpu.memory_space<hbm>> -> memref<3072x512xf32, #tpu.memory_space<hbm>>
      tpu.enqueue_indirect_dma source(%dma_start3A_391 : memref<3072x512xf32, #tpu.memory_space<hbm>>) target(%arg10 : memref<16x512xf32, #tpu.memory_space<vmem>>) offsets(%dma_start3A_388 : memref<16xi32, #tpu.memory_space<vmem>>) semaphore(%arg18 : memref<!tpu.dma_semaphore, #tpu.memory_space<semaphore_mem>>)
      %add3A_392 = arith.constant 5 : i32
      %add3A_393 = arith.addi %mul3A_184, %add3A_392 : i32
      %mul3A_394 = arith.constant 16 : i32
      %mul3A_395 = arith.muli %add3A_393, %mul3A_394 : i32
      %add3A_396 = arith.addi %mul3A_2, %mul3A_395 : i32
      %dma_wait3A_397 = arith.constant 0 : i32
      %dma_wait3A_398 = tpu.memref_slice %arg4[%add3A_396, %dma_wait3A_397] : memref<819200x512xf32, #tpu.memory_space<hbm>> -> memref<16x512xf32, #tpu.memory_space<hbm>>
      %dma_wait3A_399 = arith.constant 0 : i32
      %dma_wait3A_400 = tpu.memref_slice %arg4[%add3A_396, %dma_wait3A_399] : memref<819200x512xf32, #tpu.memory_space<hbm>> -> memref<16x512xf32, #tpu.memory_space<hbm>>
      tpu.wait_dma2 semaphore(%arg27 : memref<!tpu.dma_semaphore, #tpu.memory_space<semaphore_mem>>) src(%arg11 : memref<16x512xf32, #tpu.memory_space<vmem>>) dst(%dma_wait3A_400 : memref<16x512xf32, #tpu.memory_space<hbm>>)
      %add3A_401 = arith.constant 5 : i32
      %add3A_402 = arith.addi %mul3A_184, %add3A_401 : i32
      %add3A_403 = arith.constant 8 : i32
      %add3A_404 = arith.addi %add3A_402, %add3A_403 : i32
      %mul3A_405 = arith.constant 16 : i32
      %mul3A_406 = arith.muli %add3A_404, %mul3A_405 : i32
      %dma_start3A_407 = tpu.memref_slice %arg5[%mul3A_406] : memref<25600xi32, #tpu.memory_space<vmem>> -> memref<16xi32, #tpu.memory_space<vmem>>
      %dma_start3A_408 = arith.constant 0 : i32
      %dma_start3A_409 = arith.constant 0 : i32
      %dma_start3A_410 = tpu.memref_slice %arg2[%dma_start3A_408, %dma_start3A_409] : memref<3072x512xf32, #tpu.memory_space<hbm>> -> memref<3072x512xf32, #tpu.memory_space<hbm>>
      tpu.enqueue_indirect_dma source(%dma_start3A_410 : memref<3072x512xf32, #tpu.memory_space<hbm>>) target(%arg11 : memref<16x512xf32, #tpu.memory_space<vmem>>) offsets(%dma_start3A_407 : memref<16xi32, #tpu.memory_space<vmem>>) semaphore(%arg19 : memref<!tpu.dma_semaphore, #tpu.memory_space<semaphore_mem>>)
      %add3A_411 = arith.constant 6 : i32
      %add3A_412 = arith.addi %mul3A_184, %add3A_411 : i32
      %mul3A_413 = arith.constant 16 : i32
      %mul3A_414 = arith.muli %add3A_412, %mul3A_413 : i32
      %add3A_415 = arith.addi %mul3A_2, %mul3A_414 : i32
      %dma_wait3A_416 = arith.constant 0 : i32
      %dma_wait3A_417 = tpu.memref_slice %arg4[%add3A_415, %dma_wait3A_416] : memref<819200x512xf32, #tpu.memory_space<hbm>> -> memref<16x512xf32, #tpu.memory_space<hbm>>
      %dma_wait3A_418 = arith.constant 0 : i32
      %dma_wait3A_419 = tpu.memref_slice %arg4[%add3A_415, %dma_wait3A_418] : memref<819200x512xf32, #tpu.memory_space<hbm>> -> memref<16x512xf32, #tpu.memory_space<hbm>>
      tpu.wait_dma2 semaphore(%arg28 : memref<!tpu.dma_semaphore, #tpu.memory_space<semaphore_mem>>) src(%arg12 : memref<16x512xf32, #tpu.memory_space<vmem>>) dst(%dma_wait3A_419 : memref<16x512xf32, #tpu.memory_space<hbm>>)
      %add3A_420 = arith.constant 6 : i32
      %add3A_421 = arith.addi %mul3A_184, %add3A_420 : i32
      %add3A_422 = arith.constant 8 : i32
      %add3A_423 = arith.addi %add3A_421, %add3A_422 : i32
      %mul3A_424 = arith.constant 16 : i32
      %mul3A_425 = arith.muli %add3A_423, %mul3A_424 : i32
      %dma_start3A_426 = tpu.memref_slice %arg5[%mul3A_425] : memref<25600xi32, #tpu.memory_space<vmem>> -> memref<16xi32, #tpu.memory_space<vmem>>
      %dma_start3A_427 = arith.constant 0 : i32
      %dma_start3A_428 = arith.constant 0 : i32
      %dma_start3A_429 = tpu.memref_slice %arg2[%dma_start3A_427, %dma_start3A_428] : memref<3072x512xf32, #tpu.memory_space<hbm>> -> memref<3072x512xf32, #tpu.memory_space<hbm>>
      tpu.enqueue_indirect_dma source(%dma_start3A_429 : memref<3072x512xf32, #tpu.memory_space<hbm>>) target(%arg12 : memref<16x512xf32, #tpu.memory_space<vmem>>) offsets(%dma_start3A_426 : memref<16xi32, #tpu.memory_space<vmem>>) semaphore(%arg20 : memref<!tpu.dma_semaphore, #tpu.memory_space<semaphore_mem>>)
      %add3A_430 = arith.constant 7 : i32
      %add3A_431 = arith.addi %mul3A_184, %add3A_430 : i32
      %mul3A_432 = arith.constant 16 : i32
      %mul3A_433 = arith.muli %add3A_431, %mul3A_432 : i32
      %add3A_434 = arith.addi %mul3A_2, %mul3A_433 : i32
      %dma_wait3A_435 = arith.constant 0 : i32
      %dma_wait3A_436 = tpu.memref_slice %arg4[%add3A_434, %dma_wait3A_435] : memref<819200x512xf32, #tpu.memory_space<hbm>> -> memref<16x512xf32, #tpu.memory_space<hbm>>
      %dma_wait3A_437 = arith.constant 0 : i32
      %dma_wait3A_438 = tpu.memref_slice %arg4[%add3A_434, %dma_wait3A_437] : memref<819200x512xf32, #tpu.memory_space<hbm>> -> memref<16x512xf32, #tpu.memory_space<hbm>>
      tpu.wait_dma2 semaphore(%arg29 : memref<!tpu.dma_semaphore, #tpu.memory_space<semaphore_mem>>) src(%arg13 : memref<16x512xf32, #tpu.memory_space<vmem>>) dst(%dma_wait3A_438 : memref<16x512xf32, #tpu.memory_space<hbm>>)
      %add3A_439 = arith.constant 7 : i32
      %add3A_440 = arith.addi %mul3A_184, %add3A_439 : i32
      %add3A_441 = arith.constant 8 : i32
      %add3A_442 = arith.addi %add3A_440, %add3A_441 : i32
      %mul3A_443 = arith.constant 16 : i32
      %mul3A_444 = arith.muli %add3A_442, %mul3A_443 : i32
      %dma_start3A_445 = tpu.memref_slice %arg5[%mul3A_444] : memref<25600xi32, #tpu.memory_space<vmem>> -> memref<16xi32, #tpu.memory_space<vmem>>
      %dma_start3A_446 = arith.constant 0 : i32
      %dma_start3A_447 = arith.constant 0 : i32
      %dma_start3A_448 = tpu.memref_slice %arg2[%dma_start3A_446, %dma_start3A_447] : memref<3072x512xf32, #tpu.memory_space<hbm>> -> memref<3072x512xf32, #tpu.memory_space<hbm>>
      tpu.enqueue_indirect_dma source(%dma_start3A_448 : memref<3072x512xf32, #tpu.memory_space<hbm>>) target(%arg13 : memref<16x512xf32, #tpu.memory_space<vmem>>) offsets(%dma_start3A_445 : memref<16xi32, #tpu.memory_space<vmem>>) semaphore(%arg21 : memref<!tpu.dma_semaphore, #tpu.memory_space<semaphore_mem>>)
    }
    %scan3A_46 = arith.constant 199 : i32
    %dma_wait3A = arith.constant 0 : i32
    %dma_wait3A_47 = tpu.memref_slice %arg5[%dma_wait3A] : memref<25600xi32, #tpu.memory_space<vmem>> -> memref<16xi32, #tpu.memory_space<vmem>>
    %dma_wait3A_48 = arith.constant 0 : i32
    %dma_wait3A_49 = arith.constant 0 : i32
    %dma_wait3A_50 = tpu.memref_slice %arg2[%dma_wait3A_48, %dma_wait3A_49] : memref<3072x512xf32, #tpu.memory_space<hbm>> -> memref<3072x512xf32, #tpu.memory_space<hbm>>
    tpu.wait_indirect_dma semaphore(%arg14 : memref<!tpu.dma_semaphore, #tpu.memory_space<semaphore_mem>>) src(%dma_wait3A_50 : memref<3072x512xf32, #tpu.memory_space<hbm>>) dst(%arg6 : memref<16x512xf32, #tpu.memory_space<vmem>>)
    %add3A_51 = arith.constant 25472 : i32
    %add3A_52 = arith.addi %mul3A_2, %add3A_51 : i32
    %dma_start3A_53 = arith.constant 0 : i32
    %dma_start3A_54 = tpu.memref_slice %arg4[%add3A_52, %dma_start3A_53] : memref<819200x512xf32, #tpu.memory_space<hbm>> -> memref<16x512xf32, #tpu.memory_space<hbm>>
    %dma_start3A_55 = arith.constant 0 : i32
    %dma_start3A_56 = tpu.memref_slice %arg4[%add3A_52, %dma_start3A_55] : memref<819200x512xf32, #tpu.memory_space<hbm>> -> memref<16x512xf32, #tpu.memory_space<hbm>>
    tpu.enqueue_dma source(%arg6 : memref<16x512xf32, #tpu.memory_space<vmem>>) target(%dma_start3A_56 : memref<16x512xf32, #tpu.memory_space<hbm>>) target_semaphore(%arg22 : memref<!tpu.dma_semaphore, #tpu.memory_space<semaphore_mem>>)
    %dma_wait3A_57 = arith.constant 0 : i32
    %dma_wait3A_58 = tpu.memref_slice %arg5[%dma_wait3A_57] : memref<25600xi32, #tpu.memory_space<vmem>> -> memref<16xi32, #tpu.memory_space<vmem>>
    %dma_wait3A_59 = arith.constant 0 : i32
    %dma_wait3A_60 = arith.constant 0 : i32
    %dma_wait3A_61 = tpu.memref_slice %arg2[%dma_wait3A_59, %dma_wait3A_60] : memref<3072x512xf32, #tpu.memory_space<hbm>> -> memref<3072x512xf32, #tpu.memory_space<hbm>>
    tpu.wait_indirect_dma semaphore(%arg15 : memref<!tpu.dma_semaphore, #tpu.memory_space<semaphore_mem>>) src(%dma_wait3A_61 : memref<3072x512xf32, #tpu.memory_space<hbm>>) dst(%arg7 : memref<16x512xf32, #tpu.memory_space<vmem>>)
    %add3A_62 = arith.constant 25488 : i32
    %add3A_63 = arith.addi %mul3A_2, %add3A_62 : i32
    %dma_start3A_64 = arith.constant 0 : i32
    %dma_start3A_65 = tpu.memref_slice %arg4[%add3A_63, %dma_start3A_64] : memref<819200x512xf32, #tpu.memory_space<hbm>> -> memref<16x512xf32, #tpu.memory_space<hbm>>
    %dma_start3A_66 = arith.constant 0 : i32
    %dma_start3A_67 = tpu.memref_slice %arg4[%add3A_63, %dma_start3A_66] : memref<819200x512xf32, #tpu.memory_space<hbm>> -> memref<16x512xf32, #tpu.memory_space<hbm>>
    tpu.enqueue_dma source(%arg7 : memref<16x512xf32, #tpu.memory_space<vmem>>) target(%dma_start3A_67 : memref<16x512xf32, #tpu.memory_space<hbm>>) target_semaphore(%arg23 : memref<!tpu.dma_semaphore, #tpu.memory_space<semaphore_mem>>)
    %dma_wait3A_68 = arith.constant 0 : i32
    %dma_wait3A_69 = tpu.memref_slice %arg5[%dma_wait3A_68] : memref<25600xi32, #tpu.memory_space<vmem>> -> memref<16xi32, #tpu.memory_space<vmem>>
    %dma_wait3A_70 = arith.constant 0 : i32
    %dma_wait3A_71 = arith.constant 0 : i32
    %dma_wait3A_72 = tpu.memref_slice %arg2[%dma_wait3A_70, %dma_wait3A_71] : memref<3072x512xf32, #tpu.memory_space<hbm>> -> memref<3072x512xf32, #tpu.memory_space<hbm>>
    tpu.wait_indirect_dma semaphore(%arg16 : memref<!tpu.dma_semaphore, #tpu.memory_space<semaphore_mem>>) src(%dma_wait3A_72 : memref<3072x512xf32, #tpu.memory_space<hbm>>) dst(%arg8 : memref<16x512xf32, #tpu.memory_space<vmem>>)
    %add3A_73 = arith.constant 25504 : i32
    %add3A_74 = arith.addi %mul3A_2, %add3A_73 : i32
    %dma_start3A_75 = arith.constant 0 : i32
    %dma_start3A_76 = tpu.memref_slice %arg4[%add3A_74, %dma_start3A_75] : memref<819200x512xf32, #tpu.memory_space<hbm>> -> memref<16x512xf32, #tpu.memory_space<hbm>>
    %dma_start3A_77 = arith.constant 0 : i32
    %dma_start3A_78 = tpu.memref_slice %arg4[%add3A_74, %dma_start3A_77] : memref<819200x512xf32, #tpu.memory_space<hbm>> -> memref<16x512xf32, #tpu.memory_space<hbm>>
    tpu.enqueue_dma source(%arg8 : memref<16x512xf32, #tpu.memory_space<vmem>>) target(%dma_start3A_78 : memref<16x512xf32, #tpu.memory_space<hbm>>) target_semaphore(%arg24 : memref<!tpu.dma_semaphore, #tpu.memory_space<semaphore_mem>>)
    %dma_wait3A_79 = arith.constant 0 : i32
    %dma_wait3A_80 = tpu.memref_slice %arg5[%dma_wait3A_79] : memref<25600xi32, #tpu.memory_space<vmem>> -> memref<16xi32, #tpu.memory_space<vmem>>
    %dma_wait3A_81 = arith.constant 0 : i32
    %dma_wait3A_82 = arith.constant 0 : i32
    %dma_wait3A_83 = tpu.memref_slice %arg2[%dma_wait3A_81, %dma_wait3A_82] : memref<3072x512xf32, #tpu.memory_space<hbm>> -> memref<3072x512xf32, #tpu.memory_space<hbm>>
    tpu.wait_indirect_dma semaphore(%arg17 : memref<!tpu.dma_semaphore, #tpu.memory_space<semaphore_mem>>) src(%dma_wait3A_83 : memref<3072x512xf32, #tpu.memory_space<hbm>>) dst(%arg9 : memref<16x512xf32, #tpu.memory_space<vmem>>)
    %add3A_84 = arith.constant 25520 : i32
    %add3A_85 = arith.addi %mul3A_2, %add3A_84 : i32
    %dma_start3A_86 = arith.constant 0 : i32
    %dma_start3A_87 = tpu.memref_slice %arg4[%add3A_85, %dma_start3A_86] : memref<819200x512xf32, #tpu.memory_space<hbm>> -> memref<16x512xf32, #tpu.memory_space<hbm>>
    %dma_start3A_88 = arith.constant 0 : i32
    %dma_start3A_89 = tpu.memref_slice %arg4[%add3A_85, %dma_start3A_88] : memref<819200x512xf32, #tpu.memory_space<hbm>> -> memref<16x512xf32, #tpu.memory_space<hbm>>
    tpu.enqueue_dma source(%arg9 : memref<16x512xf32, #tpu.memory_space<vmem>>) target(%dma_start3A_89 : memref<16x512xf32, #tpu.memory_space<hbm>>) target_semaphore(%arg25 : memref<!tpu.dma_semaphore, #tpu.memory_space<semaphore_mem>>)
    %dma_wait3A_90 = arith.constant 0 : i32
    %dma_wait3A_91 = tpu.memref_slice %arg5[%dma_wait3A_90] : memref<25600xi32, #tpu.memory_space<vmem>> -> memref<16xi32, #tpu.memory_space<vmem>>
    %dma_wait3A_92 = arith.constant 0 : i32
    %dma_wait3A_93 = arith.constant 0 : i32
    %dma_wait3A_94 = tpu.memref_slice %arg2[%dma_wait3A_92, %dma_wait3A_93] : memref<3072x512xf32, #tpu.memory_space<hbm>> -> memref<3072x512xf32, #tpu.memory_space<hbm>>
    tpu.wait_indirect_dma semaphore(%arg18 : memref<!tpu.dma_semaphore, #tpu.memory_space<semaphore_mem>>) src(%dma_wait3A_94 : memref<3072x512xf32, #tpu.memory_space<hbm>>) dst(%arg10 : memref<16x512xf32, #tpu.memory_space<vmem>>)
    %add3A_95 = arith.constant 25536 : i32
    %add3A_96 = arith.addi %mul3A_2, %add3A_95 : i32
    %dma_start3A_97 = arith.constant 0 : i32
    %dma_start3A_98 = tpu.memref_slice %arg4[%add3A_96, %dma_start3A_97] : memref<819200x512xf32, #tpu.memory_space<hbm>> -> memref<16x512xf32, #tpu.memory_space<hbm>>
    %dma_start3A_99 = arith.constant 0 : i32
    %dma_start3A_100 = tpu.memref_slice %arg4[%add3A_96, %dma_start3A_99] : memref<819200x512xf32, #tpu.memory_space<hbm>> -> memref<16x512xf32, #tpu.memory_space<hbm>>
    tpu.enqueue_dma source(%arg10 : memref<16x512xf32, #tpu.memory_space<vmem>>) target(%dma_start3A_100 : memref<16x512xf32, #tpu.memory_space<hbm>>) target_semaphore(%arg26 : memref<!tpu.dma_semaphore, #tpu.memory_space<semaphore_mem>>)
    %dma_wait3A_101 = arith.constant 0 : i32
    %dma_wait3A_102 = tpu.memref_slice %arg5[%dma_wait3A_101] : memref<25600xi32, #tpu.memory_space<vmem>> -> memref<16xi32, #tpu.memory_space<vmem>>
    %dma_wait3A_103 = arith.constant 0 : i32
    %dma_wait3A_104 = arith.constant 0 : i32
    %dma_wait3A_105 = tpu.memref_slice %arg2[%dma_wait3A_103, %dma_wait3A_104] : memref<3072x512xf32, #tpu.memory_space<hbm>> -> memref<3072x512xf32, #tpu.memory_space<hbm>>
    tpu.wait_indirect_dma semaphore(%arg19 : memref<!tpu.dma_semaphore, #tpu.memory_space<semaphore_mem>>) src(%dma_wait3A_105 : memref<3072x512xf32, #tpu.memory_space<hbm>>) dst(%arg11 : memref<16x512xf32, #tpu.memory_space<vmem>>)
    %add3A_106 = arith.constant 25552 : i32
    %add3A_107 = arith.addi %mul3A_2, %add3A_106 : i32
    %dma_start3A_108 = arith.constant 0 : i32
    %dma_start3A_109 = tpu.memref_slice %arg4[%add3A_107, %dma_start3A_108] : memref<819200x512xf32, #tpu.memory_space<hbm>> -> memref<16x512xf32, #tpu.memory_space<hbm>>
    %dma_start3A_110 = arith.constant 0 : i32
    %dma_start3A_111 = tpu.memref_slice %arg4[%add3A_107, %dma_start3A_110] : memref<819200x512xf32, #tpu.memory_space<hbm>> -> memref<16x512xf32, #tpu.memory_space<hbm>>
    tpu.enqueue_dma source(%arg11 : memref<16x512xf32, #tpu.memory_space<vmem>>) target(%dma_start3A_111 : memref<16x512xf32, #tpu.memory_space<hbm>>) target_semaphore(%arg27 : memref<!tpu.dma_semaphore, #tpu.memory_space<semaphore_mem>>)
    %dma_wait3A_112 = arith.constant 0 : i32
    %dma_wait3A_113 = tpu.memref_slice %arg5[%dma_wait3A_112] : memref<25600xi32, #tpu.memory_space<vmem>> -> memref<16xi32, #tpu.memory_space<vmem>>
    %dma_wait3A_114 = arith.constant 0 : i32
    %dma_wait3A_115 = arith.constant 0 : i32
    %dma_wait3A_116 = tpu.memref_slice %arg2[%dma_wait3A_114, %dma_wait3A_115] : memref<3072x512xf32, #tpu.memory_space<hbm>> -> memref<3072x512xf32, #tpu.memory_space<hbm>>
    tpu.wait_indirect_dma semaphore(%arg20 : memref<!tpu.dma_semaphore, #tpu.memory_space<semaphore_mem>>) src(%dma_wait3A_116 : memref<3072x512xf32, #tpu.memory_space<hbm>>) dst(%arg12 : memref<16x512xf32, #tpu.memory_space<vmem>>)
    %add3A_117 = arith.constant 25568 : i32
    %add3A_118 = arith.addi %mul3A_2, %add3A_117 : i32
    %dma_start3A_119 = arith.constant 0 : i32
    %dma_start3A_120 = tpu.memref_slice %arg4[%add3A_118, %dma_start3A_119] : memref<819200x512xf32, #tpu.memory_space<hbm>> -> memref<16x512xf32, #tpu.memory_space<hbm>>
    %dma_start3A_121 = arith.constant 0 : i32
    %dma_start3A_122 = tpu.memref_slice %arg4[%add3A_118, %dma_start3A_121] : memref<819200x512xf32, #tpu.memory_space<hbm>> -> memref<16x512xf32, #tpu.memory_space<hbm>>
    tpu.enqueue_dma source(%arg12 : memref<16x512xf32, #tpu.memory_space<vmem>>) target(%dma_start3A_122 : memref<16x512xf32, #tpu.memory_space<hbm>>) target_semaphore(%arg28 : memref<!tpu.dma_semaphore, #tpu.memory_space<semaphore_mem>>)
    %dma_wait3A_123 = arith.constant 0 : i32
    %dma_wait3A_124 = tpu.memref_slice %arg5[%dma_wait3A_123] : memref<25600xi32, #tpu.memory_space<vmem>> -> memref<16xi32, #tpu.memory_space<vmem>>
    %dma_wait3A_125 = arith.constant 0 : i32
    %dma_wait3A_126 = arith.constant 0 : i32
    %dma_wait3A_127 = tpu.memref_slice %arg2[%dma_wait3A_125, %dma_wait3A_126] : memref<3072x512xf32, #tpu.memory_space<hbm>> -> memref<3072x512xf32, #tpu.memory_space<hbm>>
    tpu.wait_indirect_dma semaphore(%arg21 : memref<!tpu.dma_semaphore, #tpu.memory_space<semaphore_mem>>) src(%dma_wait3A_127 : memref<3072x512xf32, #tpu.memory_space<hbm>>) dst(%arg13 : memref<16x512xf32, #tpu.memory_space<vmem>>)
    %add3A_128 = arith.constant 25584 : i32
    %add3A_129 = arith.addi %mul3A_2, %add3A_128 : i32
    %dma_start3A_130 = arith.constant 0 : i32
    %dma_start3A_131 = tpu.memref_slice %arg4[%add3A_129, %dma_start3A_130] : memref<819200x512xf32, #tpu.memory_space<hbm>> -> memref<16x512xf32, #tpu.memory_space<hbm>>
    %dma_start3A_132 = arith.constant 0 : i32
    %dma_start3A_133 = tpu.memref_slice %arg4[%add3A_129, %dma_start3A_132] : memref<819200x512xf32, #tpu.memory_space<hbm>> -> memref<16x512xf32, #tpu.memory_space<hbm>>
    tpu.enqueue_dma source(%arg13 : memref<16x512xf32, #tpu.memory_space<vmem>>) target(%dma_start3A_133 : memref<16x512xf32, #tpu.memory_space<hbm>>) target_semaphore(%arg29 : memref<!tpu.dma_semaphore, #tpu.memory_space<semaphore_mem>>)
    %add3A_134 = arith.constant 25472 : i32
    %add3A_135 = arith.addi %mul3A_2, %add3A_134 : i32
    %dma_wait3A_136 = arith.constant 0 : i32
    %dma_wait3A_137 = tpu.memref_slice %arg4[%add3A_135, %dma_wait3A_136] : memref<819200x512xf32, #tpu.memory_space<hbm>> -> memref<16x512xf32, #tpu.memory_space<hbm>>
    %dma_wait3A_138 = arith.constant 0 : i32
    %dma_wait3A_139 = tpu.memref_slice %arg4[%add3A_135, %dma_wait3A_138] : memref<819200x512xf32, #tpu.memory_space<hbm>> -> memref<16x512xf32, #tpu.memory_space<hbm>>
    tpu.wait_dma2 semaphore(%arg22 : memref<!tpu.dma_semaphore, #tpu.memory_space<semaphore_mem>>) src(%arg6 : memref<16x512xf32, #tpu.memory_space<vmem>>) dst(%dma_wait3A_139 : memref<16x512xf32, #tpu.memory_space<hbm>>)
    %add3A_140 = arith.constant 25488 : i32
    %add3A_141 = arith.addi %mul3A_2, %add3A_140 : i32
    %dma_wait3A_142 = arith.constant 0 : i32
    %dma_wait3A_143 = tpu.memref_slice %arg4[%add3A_141, %dma_wait3A_142] : memref<819200x512xf32, #tpu.memory_space<hbm>> -> memref<16x512xf32, #tpu.memory_space<hbm>>
    %dma_wait3A_144 = arith.constant 0 : i32
    %dma_wait3A_145 = tpu.memref_slice %arg4[%add3A_141, %dma_wait3A_144] : memref<819200x512xf32, #tpu.memory_space<hbm>> -> memref<16x512xf32, #tpu.memory_space<hbm>>
    tpu.wait_dma2 semaphore(%arg23 : memref<!tpu.dma_semaphore, #tpu.memory_space<semaphore_mem>>) src(%arg7 : memref<16x512xf32, #tpu.memory_space<vmem>>) dst(%dma_wait3A_145 : memref<16x512xf32, #tpu.memory_space<hbm>>)
    %add3A_146 = arith.constant 25504 : i32
    %add3A_147 = arith.addi %mul3A_2, %add3A_146 : i32
    %dma_wait3A_148 = arith.constant 0 : i32
    %dma_wait3A_149 = tpu.memref_slice %arg4[%add3A_147, %dma_wait3A_148] : memref<819200x512xf32, #tpu.memory_space<hbm>> -> memref<16x512xf32, #tpu.memory_space<hbm>>
    %dma_wait3A_150 = arith.constant 0 : i32
    %dma_wait3A_151 = tpu.memref_slice %arg4[%add3A_147, %dma_wait3A_150] : memref<819200x512xf32, #tpu.memory_space<hbm>> -> memref<16x512xf32, #tpu.memory_space<hbm>>
    tpu.wait_dma2 semaphore(%arg24 : memref<!tpu.dma_semaphore, #tpu.memory_space<semaphore_mem>>) src(%arg8 : memref<16x512xf32, #tpu.memory_space<vmem>>) dst(%dma_wait3A_151 : memref<16x512xf32, #tpu.memory_space<hbm>>)
    %add3A_152 = arith.constant 25520 : i32
    %add3A_153 = arith.addi %mul3A_2, %add3A_152 : i32
    %dma_wait3A_154 = arith.constant 0 : i32
    %dma_wait3A_155 = tpu.memref_slice %arg4[%add3A_153, %dma_wait3A_154] : memref<819200x512xf32, #tpu.memory_space<hbm>> -> memref<16x512xf32, #tpu.memory_space<hbm>>
    %dma_wait3A_156 = arith.constant 0 : i32
    %dma_wait3A_157 = tpu.memref_slice %arg4[%add3A_153, %dma_wait3A_156] : memref<819200x512xf32, #tpu.memory_space<hbm>> -> memref<16x512xf32, #tpu.memory_space<hbm>>
    tpu.wait_dma2 semaphore(%arg25 : memref<!tpu.dma_semaphore, #tpu.memory_space<semaphore_mem>>) src(%arg9 : memref<16x512xf32, #tpu.memory_space<vmem>>) dst(%dma_wait3A_157 : memref<16x512xf32, #tpu.memory_space<hbm>>)
    %add3A_158 = arith.constant 25536 : i32
    %add3A_159 = arith.addi %mul3A_2, %add3A_158 : i32
    %dma_wait3A_160 = arith.constant 0 : i32
    %dma_wait3A_161 = tpu.memref_slice %arg4[%add3A_159, %dma_wait3A_160] : memref<819200x512xf32, #tpu.memory_space<hbm>> -> memref<16x512xf32, #tpu.memory_space<hbm>>
    %dma_wait3A_162 = arith.constant 0 : i32
    %dma_wait3A_163 = tpu.memref_slice %arg4[%add3A_159, %dma_wait3A_162] : memref<819200x512xf32, #tpu.memory_space<hbm>> -> memref<16x512xf32, #tpu.memory_space<hbm>>
    tpu.wait_dma2 semaphore(%arg26 : memref<!tpu.dma_semaphore, #tpu.memory_space<semaphore_mem>>) src(%arg10 : memref<16x512xf32, #tpu.memory_space<vmem>>) dst(%dma_wait3A_163 : memref<16x512xf32, #tpu.memory_space<hbm>>)
    %add3A_164 = arith.constant 25552 : i32
    %add3A_165 = arith.addi %mul3A_2, %add3A_164 : i32
    %dma_wait3A_166 = arith.constant 0 : i32
    %dma_wait3A_167 = tpu.memref_slice %arg4[%add3A_165, %dma_wait3A_166] : memref<819200x512xf32, #tpu.memory_space<hbm>> -> memref<16x512xf32, #tpu.memory_space<hbm>>
    %dma_wait3A_168 = arith.constant 0 : i32
    %dma_wait3A_169 = tpu.memref_slice %arg4[%add3A_165, %dma_wait3A_168] : memref<819200x512xf32, #tpu.memory_space<hbm>> -> memref<16x512xf32, #tpu.memory_space<hbm>>
    tpu.wait_dma2 semaphore(%arg27 : memref<!tpu.dma_semaphore, #tpu.memory_space<semaphore_mem>>) src(%arg11 : memref<16x512xf32, #tpu.memory_space<vmem>>) dst(%dma_wait3A_169 : memref<16x512xf32, #tpu.memory_space<hbm>>)
    %add3A_170 = arith.constant 25568 : i32
    %add3A_171 = arith.addi %mul3A_2, %add3A_170 : i32
    %dma_wait3A_172 = arith.constant 0 : i32
    %dma_wait3A_173 = tpu.memref_slice %arg4[%add3A_171, %dma_wait3A_172] : memref<819200x512xf32, #tpu.memory_space<hbm>> -> memref<16x512xf32, #tpu.memory_space<hbm>>
    %dma_wait3A_174 = arith.constant 0 : i32
    %dma_wait3A_175 = tpu.memref_slice %arg4[%add3A_171, %dma_wait3A_174] : memref<819200x512xf32, #tpu.memory_space<hbm>> -> memref<16x512xf32, #tpu.memory_space<hbm>>
    tpu.wait_dma2 semaphore(%arg28 : memref<!tpu.dma_semaphore, #tpu.memory_space<semaphore_mem>>) src(%arg12 : memref<16x512xf32, #tpu.memory_space<vmem>>) dst(%dma_wait3A_175 : memref<16x512xf32, #tpu.memory_space<hbm>>)
    %add3A_176 = arith.constant 25584 : i32
    %add3A_177 = arith.addi %mul3A_2, %add3A_176 : i32
    %dma_wait3A_178 = arith.constant 0 : i32
    %dma_wait3A_179 = tpu.memref_slice %arg4[%add3A_177, %dma_wait3A_178] : memref<819200x512xf32, #tpu.memory_space<hbm>> -> memref<16x512xf32, #tpu.memory_space<hbm>>
    %dma_wait3A_180 = arith.constant 0 : i32
    %dma_wait3A_181 = tpu.memref_slice %arg4[%add3A_177, %dma_wait3A_180] : memref<819200x512xf32, #tpu.memory_space<hbm>> -> memref<16x512xf32, #tpu.memory_space<hbm>>
    tpu.wait_dma2 semaphore(%arg29 : memref<!tpu.dma_semaphore, #tpu.memory_space<semaphore_mem>>) src(%arg13 : memref<16x512xf32, #tpu.memory_space<vmem>>) dst(%dma_wait3A_181 : memref<16x512xf32, #tpu.memory_space<hbm>>)
    return
  }
}

module attributes {stable_mosaic.version = 14 : i64} {
  func.func @_table_body(%arg0: memref<96x256xf32, #tpu.memory_space<vmem>>, %arg1: memref<256x512xf32, #tpu.memory_space<vmem>>, %arg2: memref<1x512xf32, #tpu.memory_space<vmem>>, %arg3: memref<32x96x512xf32, #tpu.memory_space<vmem>>) attributes {dimension_semantics = [], scalar_prefetch = 0 : i64, scratch_operands = 0 : i64, tpu.core_type = #tpu.core_type<tc>} {
    %get3A = arith.constant 0 : index
    %get3A_0 = arith.constant 0 : index
    %get3A_1 = vector.load %arg0[%get3A, %get3A_0] : memref<96x256xf32, #tpu.memory_space<vmem>>, vector<96x256xf32>
    %get3A_2 = arith.constant 0 : index
    %get3A_3 = arith.constant 0 : index
    %get3A_4 = vector.load %arg1[%get3A_2, %get3A_3] : memref<256x512xf32, #tpu.memory_space<vmem>>, vector<256x512xf32>
    %dot_general3A = arith.constant dense<0.000000e+00> : vector<96x512xf32>
    %dot_general3A_5 = tpu.matmul %get3A_1, %get3A_4, %dot_general3A {dimension_numbers = #tpu.dot_dimension_numbers<[1], [0], [0], [1], [0, 0, 1, 1], [], []>, transpose_lhs_hint = false} : vector<96x256xf32>, vector<256x512xf32>, vector<96x512xf32> -> vector<96x512xf32>
    %get3A_6 = arith.constant 0 : index
    %get3A_7 = arith.constant 0 : index
    %get3A_8 = vector.load %arg2[%get3A_6, %get3A_7] : memref<1x512xf32, #tpu.memory_space<vmem>>, vector<1x512xf32>
    %add3A = vector.broadcast %get3A_8 : vector<1x512xf32> to vector<96x512xf32>
    %add3A_9 = arith.addf %dot_general3A_5, %add3A : vector<96x512xf32>
    %broadcast_in_dim3A = vector.shape_cast %add3A_9 : vector<96x512xf32> to vector<1x96x512xf32>
    %broadcast_in_dim3A_10 = vector.shape_cast %broadcast_in_dim3A : vector<1x96x512xf32> to vector<1x96x512xf32>
    %broadcast_in_dim3A_11 = vector.broadcast %broadcast_in_dim3A_10 : vector<1x96x512xf32> to vector<32x96x512xf32>
    %swap3A = arith.constant 0 : index
    %swap3A_12 = arith.constant 0 : index
    %swap3A_13 = arith.constant 0 : index
    %swap3A_14 = vector.load %arg3[%swap3A, %swap3A_12, %swap3A_13] : memref<32x96x512xf32, #tpu.memory_space<vmem>>, vector<32x96x512xf32>
    tpu.vector_store %arg3[%swap3A, %swap3A_12, %swap3A_13], %broadcast_in_dim3A_11 {strides = array<i32>} : memref<32x96x512xf32, #tpu.memory_space<vmem>>, vector<32x96x512xf32>,
    return
  }
}

</mosaic_0001>

<sc_bundles>
// kernel: kernel.4.cloned.1.call-start
scs
__scs_entry_jumppad:
0x0: {  	(pc) =	sbr.rel $0x88, $3  }
0x1: {  	(tag) =	ssettag $0x0;
	lr =	simm.s32 $0x1  }
0x2: {  	[smem:$0x3F9D] =	sst lr;
	_ =	strace $0xD0000000  }
0x3: {  	_ = 	snop  }
0x4: {  	_ = 	snop  }
0x5: {  	_ = 	snop  }
0x6: {  	_ = 	snop  }
0x7: {  	_ = 	snop  }
__scs_overlays_trampoline_lowered:
0x8: {  	[smem:$0x3FAC] =	sst s0  }
0x9: {  	[smem:$0x3FAD] =	sst s1  }
0xa: {  	[smem:$0x3FAE] =	sst s2  }
0xb: {  	[smem:$0x3FAF] =	sst s3  }
0xc: {  	[smem:$0x3FB0] =	sst s4  }
0xd: {  	[smem:$0x3FB1] =	sst s5  }
0xe: {  	[smem:$0x3FB2] =	sst s6  }
0xf: {  	[smem:$0x3FB3] =	sst s7  }
0x10: {  	[smem:$0x3FB4] =	sst s8  }
0x11: {  	[smem:$0x3FB5] =	sst s9;
	s0 =	simm.s32 @!p0 $0x0  }
0x12: {  	s1 =	sld [smem:$0x3F9B];
	s0 =	simm.s32 @p0 $0x1  }
0x13: {  	[smem:$0x3FB6] =	sst s0;
	s0 =	simm.s32 @!p1 $0x0  }
0x14: {  	s2 =	sld [smem:$0x3F9A];
	s0 =	simm.s32 @p1 $0x1  }
0x15: {  	[smem:$0x3FB7] =	sst s0;
	s0 =	simm.s32 @!p2 $0x0  }
0x16: {  	s3 =	sld [smem:$0x3FDB];
	s0 =	simm.s32 @p2 $0x1  }
0x17: {  	s4 =	simm.s32 $0x1BF5;
	[smem:$0x3FB9] =	sst s0  }
0x18: {  	s0 =	sld [smem:$0x3F9C];
	_ =	swait.ge [sflag:s4], $0x0  }
0x19: {  	s7 =	sld [smem:$0x3F9D]  }
0x1a: {  	s8 =	sadd.s32 $0xFFFFE003, lr  }
0x1b: {  	s9 =	sadd.s32 $0xFFFFFEF7, lr;
	s5 =	simm.s32 $0xFFFFFFFF;
	p2 =	slt.u32 s8, $0xFFFFF086  }
0x1c: {  	p1 =	slt.u32 s9, $0xF7A;
	s5 =	simm.s32 @!p2 $0x0  }
0x1d: {  	s5 =	simm.s32 @p1 $0x1;
	p0 =	seq.s32 s7, s2  }
0x1e: {  	s7 =	smul.u32 @!p0 $0xF7A, s2;
	p2 =	seq.s32 @!p0 s5, $0x0  }
0x1f: {  	s9 =	smul.u32 $0xF7A, s1;
	s8 =	simm.s32 @!p0 $0x1BF5;
	p2 =	por !p2, p0  }
0x20: {  	[sflag:s8] =	ssyncset.s32 @!p0 $0xFFFFF086;
	s6 =	sadd.s32 @!p0 s3, s7;
	s7 =	simm.s32 @!p0 $0x108  }
0x21: {  	s3 =	sadd.s32 s3, s9;
	s6 =	sadd.s32 @!p0 $0x88, s6;
	s7 =	simm.s32 @p2 $0x1082  }
0x22: {  	[simem:s7], [sflag:s8] =	dma.local @!p0 [hbm:s6], $0xF7A  }
0x23: {  	s9 =	sor.u32 $0xD0000000, s2;
	s6 =	simm.s32 $0x108;
	_ =	swait.ge @!p0 [sflag:s8], $0x0  }
0x24: {  	s3 =	sadd.s32 $0x88, s3;
	s6 =	simm.s32 @!p1 $0x1082;
	[sflag:s4] =	ssyncset.s32 $0xFFFFF086  }
0x25: {  	[simem:s6], [sflag:s4] =	dma.local [hbm:s3], $0xF7A  }
0x26: {  	[smem:$0x3F9D] =	sst s1;
	(tag) =	ssettag s2;
	_ =	strace s9  }
0x27: {  	s1 =	sld [smem:$0x3FAD]  }
0x28: {  	s2 =	sld [smem:$0x3FAE]  }
0x29: {  	s4 =	sld [smem:$0x3FB0]  }
0x2a: {  	p0 =	seq.s32 s5, $0x0;
	s5 =	sld [smem:$0x3FB1]  }
0x2b: {  	s6 =	sld [smem:$0x3FB2]  }
0x2c: {  	s7 =	sld [smem:$0x3FB3]  }
0x2d: {  	s3 =	simm.s32 $0x108;
	s8 =	sld [smem:$0x3FB4]  }
0x2e: {  	s3 =	simm.s32 @!p0 $0x1082;
	s9 =	sld [smem:$0x3FB5]  }
0x2f: {  	lr =	sadd.s32 s0, s3;
	s0 =	sld [smem:$0x3FAC]  }
0x30: {  	s3 =	sld [smem:$0x3FAF]  }
0x31: {  	[smem:$0x3FB8] =	sst s10  }
0x32: {  	s10 =	sld [smem:$0x3FB6];
	_ =	sdelay $0x3  }
0x33: {  	p0 =	seq.s32 s10, $0x1;
	s10 =	sld [smem:$0x3FB8];
	_ =	sdelay $0x3  }
0x34: {  	[smem:$0x3FB8] =	sst s10  }
0x35: {  	s10 =	sld [smem:$0x3FB7];
	_ =	sdelay $0x3  }
0x36: {  	p1 =	seq.s32 s10, $0x1;
	s10 =	sld [smem:$0x3FB8];
	_ =	sdelay $0x3  }
0x37: {  	[smem:$0x3FB8] =	sst s10  }
0x38: {  	s10 =	sld [smem:$0x3FB9]  }
0x39: {  	_ = 	snop;
	(pc) =	sbr.ind lr, $3  }
0x3a: {  	_ = 	snop  }
0x3b: {  	_ = 	snop  }
0x3c: {  	p2 =	seq.s32 s10, $0x1;
	s10 =	sld [smem:$0x3FB8]  }
0x3d: {  	_ =	shalt  }
0x3e: {  	_ =	shalt  }
0x3f: {  	_ =	shalt  }
0x40: {  	_ =	shalt  }
0x41: {  	_ =	shalt  }
0x42: {  	_ =	shalt  }
0x43: {  	_ =	shalt  }
0x44: {  	_ =	shalt  }
0x45: {  	_ =	shalt  }
0x46: {  	_ =	shalt  }
0x47: {  	_ =	shalt  }
0x48: {  	_ =	shalt  }
0x49: {  	_ =	shalt  }
0x4a: {  	_ =	shalt  }
0x4b: {  	_ =	shalt  }
0x4c: {  	_ =	shalt  }
0x4d: {  	_ =	shalt  }
0x4e: {  	_ =	shalt  }
0x4f: {  	_ =	shalt  }
0x50: {  	_ =	shalt  }
0x51: {  	_ =	shalt  }
0x52: {  	_ =	shalt  }
0x53: {  	_ =	shalt  }
0x54: {  	_ =	shalt  }
0x55: {  	_ =	shalt  }
0x56: {  	_ =	shalt  }
0x57: {  	_ =	shalt  }
0x58: {  	_ =	shalt  }
0x59: {  	_ =	shalt  }
0x5a: {  	_ =	shalt  }
0x5b: {  	_ =	shalt  }
0x5c: {  	_ =	shalt  }
0x5d: {  	_ =	shalt  }
0x5e: {  	_ =	shalt  }
0x5f: {  	_ =	shalt  }
0x60: {  	_ =	shalt  }
0x61: {  	_ =	shalt  }
0x62: {  	_ =	shalt  }
0x63: {  	_ =	shalt  }
0x64: {  	_ =	shalt  }
0x65: {  	_ =	shalt  }
0x66: {  	_ =	shalt  }
0x67: {  	_ =	shalt  }
0x68: {  	_ =	shalt  }
0x69: {  	_ =	shalt  }
0x6a: {  	_ =	shalt  }
0x6b: {  	_ =	shalt  }
0x6c: {  	_ =	shalt  }
0x6d: {  	_ =	shalt  }
0x6e: {  	_ =	shalt  }
0x6f: {  	_ =	shalt  }
0x70: {  	_ =	shalt  }
0x71: {  	_ =	shalt  }
0x72: {  	_ =	shalt  }
0x73: {  	_ =	shalt  }
0x74: {  	_ =	shalt  }
0x75: {  	_ =	shalt  }
0x76: {  	_ =	shalt  }
0x77: {  	_ =	shalt  }
0x78: {  	_ =	shalt  }
0x79: {  	_ =	shalt  }
0x7a: {  	_ =	shalt  }
0x7b: {  	_ =	shalt  }
0x7c: {  	_ =	shalt  }
0x7d: {  	_ =	shalt  }
0x7e: {  	_ =	shalt  }
0x7f: {  	_ =	shalt  }
0x80: {  	_ =	shalt  }
0x81: {  	_ =	shalt  }
0x82: {  	_ =	shalt  }
0x83: {  	_ =	shalt  }
0x84: {  	_ =	shalt  }
0x85: {  	_ =	shalt  }
0x86: {  	_ =	shalt  }
0x87: {  	_ =	shalt  }
.Lfunc_end0:
.L_simem_size_0:
called_computation_lowered:
.L_overlay_start_0:
0x88: {  	s2 =	sld [smem:$0x3FD9]  }
0x89: {  	s3 =	sld [smem:$0x3FFE];
	_ =	sdelay $0x1  }
0x8a: {  	s1 =	srdreg.scid  }
0x8b: {  	s0 =	sand.u32 $0x1, s1  }
0x8c: {  	s17 =	sshll.u32 s0, $0xA;
	s2 =	sadd.s32 s3, s2  }
0x8d: {  	s2 =	sadd.s32 s2, s17  }
0x8e: {  	[smem:$0x3FC4] =	sst s2  }
0x8f: {  	_ = 	snop  }
0x90: {  	s2 =	sld [smem:$0x3FD0];
	(tm) =	ssettm $0x1  }
0x91: {  	s18 =	sld [smem:$0x3FFB];
	_ =	sdelay $0x3  }
0x92: {  	_ =	strace s18  }
0x93: {  	s3 =	sld [smem:$0x3FFC];
	_ =	sdelay $0x3  }
0x94: {  	_ =	strace s3  }
0x95: {  	s3 =	sld [smem:$0x3FFD];
	_ =	sdelay $0x3  }
0x96: {  	_ =	strace s3  }
0x97: {  	_ =	strace $0x8FFFFFFF  }
0x98: {  	s19 =	sld [smem:$0x3FDB];
	_ =	sdelay $0x1  }
0x99: {  	s4 =	simm.s32 $_scs_section_size  }
0x9a: {  	s5 =	simm.s32 $_size__tile_overlayer_lowered;
	s6 =	simm.s32 $_tile_overlayer_lowered  }
0x9b: {  	s22 =	simm.s32 $0x1BFF;
	s21 =	sshll.u32 s6, $0x1;
	s3 =	sadd.s32 s4, s19  }
0x9c: {  	s7 =	simm.s32 $0x0;
	s20 =	sshll.u32 s5, $0x1;
	s5 =	sadd.s32 s21, s3  }
0x9d: {  	[timem:s7], [sflag:s22] =	dma.local [hbm:s5], s20  }
0x9e: {  	_ =	swait.ge [sflag:s22], s20  }
0x9f: {  	s4 =	ssub.s32 $0x0, s20;
	[sflag:s22] =	ssyncset.done $0x0  }
0xa0: {  	[sflag:s22] =	ssyncadd.s32 s4;
	_ =	sdelay $0x1  }
0xa1: {  	s23 =	simm.s32 $0x1B8B  }
0xa2: {  	_ =	swait.ge [sflag:s23], $0x1  }
0xa3: {  	[sflag:s23] =	ssyncset.done $0x0  }
0xa4: {  	s25 =	simm.s32 $0x1B8E;
	s24 =	sld [smem:$0x3FFE];
	[sflag:s23] =	ssyncadd.s32 $0xFFFFFFFF  }
0xa5: {  	s26 =	simm.s32 $execute0_lowered;
	[smem:$0x3FD2] =	sst s25  }
0xa6: {  	s5 =	sshll.u32 s26, $0x1;
	_ =	strace $0x80000046;
	[dreg:$0x1] =	wrdreg $0xFFFFFFFF  }
0xa7: {  	s28 =	simm.s32 $_size_execute0_lowered;
	s3 =	sadd.s32 s3, s5;
	[dreg:$0x0] =	wrdreg $0x0  }
0xa8: {  	s5 =	sshll.u32 s28, $0x1;
	[dreg:$0x2] =	wrdreg s3  }
0xa9: {  	[dreg:$0x3] =	wrdreg s5  }
0xaa: {  	[dreg:$0x4] =	wrdreg $0xC0  }
0xab: {  	_ =	task [dreg:s7], $0x5FFFF  }
0xac: {  	[dreg:$0x1] =	wrdreg $0xFFFFFFFF  }
0xad: {  	[dreg:$0x0] =	wrdreg $0x60  }
0xae: {  	[dreg:$0x2] =	wrdreg s24  }
0xaf: {  	[dreg:$0x3] =	wrdreg s2  }
0xb0: {  	[dreg:$0x4] =	wrdreg $0x9  }
0xb1: {  	_ =	task.clear_ibuf [dreg:s7], $0x5FFFF;
	_ =	strace $0x90000046  }
0xb2: {  	s29 =	simm.s32 $0x9;
	_ =	strace $0x80000048  }
0xb3: {  	_ =	swait.ge [sflag:s29], $0x1  }
0xb4: {  	[sflag:s29] =	ssyncadd.s32 $0xFFFFFFFF  }
0xb5: {  	_ =	strace $0x90000048  }
0xb6: {  	_ =	sfence  }
0xb7: {  	s30 =	sld [smem:$0x0];
	_ =	sdelay $0x2  }
0xb8: {  	s31 =	sshll.u32 s1, $0xD;
	s1 =	sshrl.u32 s1, $0x2  }
0xb9: {  	s3 =	sand.u32 $0x4000, s31;
	s1 =	sadd.s32 s1, s30  }
0xba: {  	s0 =	sor.u32 s3, s0;
	s1 =	sshll.u32 s1, $0x11  }
0xbb: {  	s0 =	sor.u32 s1, s0  }
0xbc: {  	s0 =	sadd.s32 $0x8F2B, s0  }
0xbd: {  	[sflag:s0] =	ssyncadd.remote.s32 $0x1  }
0xbe: {  	_ =	sfence.sel $0xFFFF  }
0xbf: {  	[dreg:$0x0] =	wrdreg $0xFFFFFFFF;
	(pc) =	sbr.abs _section_cstart, $3  }
0xc0: {  	[dreg:$0x1] =	wrdreg $0xFFFFFFFF  }
0xc1: {  	_ =	task.clear_ibuf [dreg:s7], $0x2FFFF;
	_ =	strace $0x9FFFFFFF  }
0xc2: {  	(tm) =	ssettm $0x7FFFFFFF  }
0xc3: {  	_ =	shalt  }
tec
execute0_lowered:
.L_overlay_start_1:
0x0: {  	(tag) =	ssettag $0x1  }
0x1: {  	s0 =	srdreg.scid;
	s4 =	rddreg [dreg:$0x0]  }
0x2: {  	s10 =	stileid.u32;
	s6 =	rddreg [dreg:$0x1];
	s31 =	simm.s32 $0xC400  }
0x3: {  	s16 =	simm.s32 $0xE400;
	s12 =	simm.s32 $0x12400;
	s28 =	simm.s32 $0x1  }
0x4: {  	s29 =	simm.s32 $0x2;
	s30 =	simm.s32 $0x3;
	s15 =	simm.s32 $0x6  }
0x5: {  	s11 =	simm.s32 $0xC;
	s13 =	simm.s32 $0xD;
	s17 =	smul.u32 $0x1900000, s10  }
0x6: {  	s14 =	simm.s32 $0xE;
	s2 =	sshrl.u32 s10, $0x2;
	s23 =	smul.u32 $0x320000, s10  }
0x7: {  	s0 =	sand.u32 $0x1, s0;
	s1 =	sshll.u32 s10, $0x1;
	s3 =	smul.u32 $0x32000, s2  }
0x8: {  	s10 =	simm.s32 $0xB;
	s1 =	sor.u32 s0, s1;
	s19 =	smul.u32 $0xC80000, s0  }
0x9: {  	s7 =	ssub.s32 $0x2, s0;
	s5 =	sshll.u32 s1, $0x7;
	s1 =	smul.u32 $0xC80000, s1  }
0xa: {  	s2 =	simm.s32 $0x0;
	s0 =	smul.u32 $0x190000, s0;
	s8 =	sshrl.u32 s7, $0x1  }
0xb: {  	[smem:$0x7FF] =	sst s2;
	s7 =	ssub.s32 s7, s8;
	s1 =	sshrl.u32 s1, $0x3  }
0xc: {  	s5 =	sand.u32 $0x380, s5;
	s26 =	smax.u32 s7, $0x1;
	s1 =	sadd.s32 s6, s1  }
0xd: {  	_ =	strace $0x80000047;
	[dreg:$0xe] =	wrdreg s26;
	s9 =	sadd.s32 $0x18E000, s1  }
0xe: {  	s8 =	simm.s32 $0x10400;
	s18 =	sadd.s32 $0x18E400, s1;
	[dreg:$0x6] =	wrdreg s9  }
0xf: {  	s3 =	sor.u32 s3, s5;
	s20 =	sadd.s32 $0x18E800, s1;
	[dreg:$0x7] =	wrdreg s18  }
0x10: {  	s7 =	simm.s32 $0x9;
	s21 =	sadd.s32 $0x18EC00, s1;
	[dreg:$0x8] =	wrdreg s20  }
0x11: {  	s5 =	sshrl.u32 s3, $0x3;
	s22 =	sadd.s32 $0x18F000, s1;
	[dreg:$0x9] =	wrdreg s21  }
0x12: {  	s3 =	sadd.s32 $0x19C00, s4;
	s24 =	sadd.s32 $0x18F400, s1;
	[dreg:$0xa] =	wrdreg s22  }
0x13: {  	s26 =	simm.s32 $0xA400;
	s25 =	sadd.s32 $0x18F800, s1;
	[dreg:$0xb] =	wrdreg s24  }
0x14: {  	s5 =	sadd.s32 s5, s4;
	s1 =	sadd.s32 $0x18FC00, s1;
	[dreg:$0xc] =	wrdreg s25  }
0x15: {  	s5 =	sadd.s32 $0xC00, s5;
	[dreg:$0xd] =	wrdreg s1;
	s18 =	simm.s32 $0x6400  }
0x16: {  	s22 =	simm.s32 $0x8400;
	s24 =	simm.s32 $0x14400;
	s25 =	simm.s32 $0x14C00  }
0x17: {  	[dreg:$0x5] =	wrdreg s5;
	s5 =	sadd.s32 $0x19D00, s4;
	s4 =	sadd.s32 s19, s17  }
0x18: {  	s9 =	simm.s32 $0xA;
	s19 =	simm.s32 $0x13400;
	s4 =	sshrl.u32 s4, $0x3  }
0x19: {  	v2 =	vlaneseq.u32;
	s4 =	sadd.s32 s4, s6;
	s6 =	sadd.s32 s23, s6;
	s23 =	simm.s32 $0x6C00  }
0x1a: {  	vm0 =	vmmov $0xffff;
	v1 =	vshrl.u32 v2, $0x3;
	[dreg:$0x3] =	wrdreg s4;
	s0 =	sadd.s32 s0, s6;
	s4 =	simm.s32 $0x7  }
0x1b: {  	v0 =	vand.u32 $0x7, v2;
	v2 =	vor.u32 $0x8, v2;
	v1 =	vmul.u32 $0x8, v1;
	s6 =	simm.s32 $0x8;
	[dreg:$0x4] =	wrdreg s0;
	s0 =	simm.s32 $0x0  }
.LBB2_1:
0x1c: {  	s17 =	rddreg [dreg:$0x5];
	s20 =	simm.s32 $0x80;
	s21 =	simm.s32 $0x400  }
0x1d: {  	[tilespmem:s2], [sflag:$0x11] =	stream.strided.gather [hbm4b:s17+s20], $0x6400, s21, s20, $0x38;
	[tilespmem:$0x16400] =	vst v63  }
0x1e: {  	[dreg:$0xf] =	wrdreg s0;
	s21 =	simm.s32 $0x11  }
0x1f: {  	_ =	swait.ge [sflag:s21], $0x6400  }
0x20: {  	[sflag:s21] =	ssyncset.done $0x0  }
0x21: {  	[sflag:s21] =	ssyncadd.s32 $0xFFFF9C00  }
0x22: {  	v3 =	vld [tilespmem:$0x0];
	_ =	sdelay $0x4  }
0x23: {  	v4 =	vshll.u32 v3, $0x2  }
0x24: {  	v3 =	vand.u32 $0x7, v3;
	v4 =	vand.u32 $0xFFFFFFE0, v4  }
0x25: {  	v3 =	vor.u32 v3, v4  }
0x26: {  	v4 =	vperm.xlane v3, v0;
	_ =	sdelay $0x1  }
0x27: {  	v4 =	vadd.s32 v1, v4;
	_ =	sdelay $0x1  }
0x28: {  	v3 =	vperm.xlane v3, v2;
	_ =	sdelay $0x1  }
0x29: {  	v3 =	vadd.s32 v1, v3  }
0x2a: {  	[tilespmem:s18], [sflag:$0x1] =	stream.indirect_vreg.gather [hbm4b:s3+s2], $0x80, v4, vm0, $0xb8;
	[tilespmem:$0x16400] =	vst v63  }
0x2b: {  	_ = 	snop  }
0x2c: {  	[tilespmem:s23], [sflag:$0x1] =	stream.indirect_vreg.gather [hbm4b:s5+s2], $0x80, v4, vm0, $0xb8;
	[tilespmem:$0x16400] =	vst v63  }
0x2d: {  	s18 =	simm.s32 $0x7400  }
0x2e: {  	[tilespmem:s18], [sflag:$0x1] =	stream.indirect_vreg.gather [hbm4b:s3+s2], $0x80, v3, vm0, $0xb8;
	[tilespmem:$0x16400] =	vst v63  }
0x2f: {  	s20 =	simm.s32 $0x7C00  }
0x30: {  	[tilespmem:s20], [sflag:$0x1] =	stream.indirect_vreg.gather [hbm4b:s5+s2], $0x80, v3, vm0, $0xb8;
	[tilespmem:$0x16400] =	vst v63  }
0x31: {  	v3 =	vld [tilespmem:$0x10];
	_ =	sdelay $0x4  }
0x32: {  	v57 =	vshll.u32 v3, $0x2  }
0x33: {  	v3 =	vand.u32 $0x7, v3;
	v4 =	vand.u32 $0xFFFFFFE0, v57  }
0x34: {  	v3 =	vor.u32 v3, v4  }
0x35: {  	v4 =	vperm.xlane v3, v0;
	_ =	sdelay $0x1  }
0x36: {  	v4 =	vadd.s32 v1, v4;
	_ =	sdelay $0x1  }
0x37: {  	v3 =	vperm.xlane v3, v2;
	_ =	sdelay $0x1  }
0x38: {  	v3 =	vadd.s32 v1, v3  }
0x39: {  	[tilespmem:s22], [sflag:$0x2] =	stream.indirect_vreg.gather [hbm4b:s3+s2], $0x80, v4, vm0, $0xb8;
	[tilespmem:$0x16400] =	vst v63  }
0x3a: {  	s21 =	simm.s32 $0x8C00  }
0x3b: {  	[tilespmem:s21], [sflag:$0x2] =	stream.indirect_vreg.gather [hbm4b:s5+s2], $0x80, v4, vm0, $0xb8;
	[tilespmem:$0x16400] =	vst v63  }
0x3c: {  	s22 =	simm.s32 $0x9400  }
0x3d: {  	[tilespmem:s22], [sflag:$0x2] =	stream.indirect_vreg.gather [hbm4b:s3+s2], $0x80, v3, vm0, $0xb8;
	[tilespmem:$0x16400] =	vst v63  }
0x3e: {  	s23 =	simm.s32 $0x9C00  }
0x3f: {  	[tilespmem:s23], [sflag:$0x2] =	stream.indirect_vreg.gather [hbm4b:s5+s2], $0x80, v3, vm0, $0xb8;
	[tilespmem:$0x16400] =	vst v63  }
0x40: {  	v3 =	vld [tilespmem:$0x20];
	_ =	sdelay $0x4  }
0x41: {  	v58 =	vshll.u32 v3, $0x2  }
0x42: {  	v3 =	vand.u32 $0x7, v3;
	v4 =	vand.u32 $0xFFFFFFE0, v58  }
0x43: {  	v3 =	vor.u32 v3, v4  }
0x44: {  	v4 =	vperm.xlane v3, v0;
	_ =	sdelay $0x1  }
0x45: {  	v4 =	vadd.s32 v1, v4;
	_ =	sdelay $0x1  }
0x46: {  	v3 =	vperm.xlane v3, v2;
	_ =	sdelay $0x1  }
0x47: {  	v3 =	vadd.s32 v1, v3  }
0x48: {  	[tilespmem:s26], [sflag:$0x3] =	stream.indirect_vreg.gather [hbm4b:s3+s2], $0x80, v4, vm0, $0xb8;
	[tilespmem:$0x16400] =	vst v63  }
0x49: {  	s26 =	simm.s32 $0xAC00  }
0x4a: {  	[tilespmem:s26], [sflag:$0x3] =	stream.indirect_vreg.gather [hbm4b:s5+s2], $0x80, v4, vm0, $0xb8;
	[tilespmem:$0x16400] =	vst v63  }
0x4b: {  	s18 =	simm.s32 $0xB400  }
0x4c: {  	[tilespmem:s18], [sflag:$0x3] =	stream.indirect_vreg.gather [hbm4b:s3+s2], $0x80, v3, vm0, $0xb8;
	[tilespmem:$0x16400] =	vst v63  }
0x4d: {  	s20 =	simm.s32 $0xBC00  }
0x4e: {  	[tilespmem:s20], [sflag:$0x3] =	stream.indirect_vreg.gather [hbm4b:s5+s2], $0x80, v3, vm0, $0xb8;
	[tilespmem:$0x16400] =	vst v63  }
0x4f: {  	v3 =	vld [tilespmem:$0x30];
	_ =	sdelay $0x4  }
0x50: {  	v59 =	vshll.u32 v3, $0x2  }
0x51: {  	v3 =	vand.u32 $0x7, v3;
	v4 =	vand.u32 $0xFFFFFFE0, v59  }
0x52: {  	v3 =	vor.u32 v3, v4  }
0x53: {  	v4 =	vperm.xlane v3, v0;
	_ =	sdelay $0x1  }
0x54: {  	v4 =	vadd.s32 v1, v4;
	_ =	sdelay $0x1  }
0x55: {  	v3 =	vperm.xlane v3, v2;
	_ =	sdelay $0x1  }
0x56: {  	v3 =	vadd.s32 v1, v3  }
0x57: {  	[tilespmem:s31], [sflag:$0x4] =	stream.indirect_vreg.gather [hbm4b:s3+s2], $0x80, v4, vm0, $0xb8;
	[tilespmem:$0x16400] =	vst v63  }
0x58: {  	s21 =	simm.s32 $0xCC00  }
0x59: {  	[tilespmem:s21], [sflag:$0x4] =	stream.indirect_vreg.gather [hbm4b:s5+s2], $0x80, v4, vm0, $0xb8;
	[tilespmem:$0x16400] =	vst v63  }
0x5a: {  	s22 =	simm.s32 $0xD400  }
0x5b: {  	[tilespmem:s22], [sflag:$0x4] =	stream.indirect_vreg.gather [hbm4b:s3+s2], $0x80, v3, vm0, $0xb8;
	[tilespmem:$0x16400] =	vst v63  }
0x5c: {  	s23 =	simm.s32 $0xDC00  }
0x5d: {  	[tilespmem:s23], [sflag:$0x4] =	stream.indirect_vreg.gather [hbm4b:s5+s2], $0x80, v3, vm0, $0xb8;
	[tilespmem:$0x16400] =	vst v63  }
0x5e: {  	v3 =	vld [tilespmem:$0x40];
	_ =	sdelay $0x4  }
0x5f: {  	v60 =	vshll.u32 v3, $0x2  }
0x60: {  	v3 =	vand.u32 $0x7, v3;
	v4 =	vand.u32 $0xFFFFFFE0, v60  }
0x61: {  	v3 =	vor.u32 v3, v4  }
0x62: {  	v4 =	vperm.xlane v3, v0;
	_ =	sdelay $0x1  }
0x63: {  	v4 =	vadd.s32 v1, v4;
	_ =	sdelay $0x1  }
0x64: {  	v3 =	vperm.xlane v3, v2;
	_ =	sdelay $0x1  }
0x65: {  	v3 =	vadd.s32 v1, v3  }
0x66: {  	[tilespmem:s16], [sflag:$0x5] =	stream.indirect_vreg.gather [hbm4b:s3+s2], $0x80, v4, vm0, $0xb8;
	[tilespmem:$0x16400] =	vst v63  }
0x67: {  	s26 =	simm.s32 $0xEC00  }
0x68: {  	[tilespmem:s26], [sflag:$0x5] =	stream.indirect_vreg.gather [hbm4b:s5+s2], $0x80, v4, vm0, $0xb8;
	[tilespmem:$0x16400] =	vst v63  }
0x69: {  	s31 =	simm.s32 $0xF400  }
0x6a: {  	[tilespmem:s31], [sflag:$0x5] =	stream.indirect_vreg.gather [hbm4b:s3+s2], $0x80, v3, vm0, $0xb8;
	[tilespmem:$0x16400] =	vst v63  }
0x6b: {  	s17 =	simm.s32 $0xFC00  }
0x6c: {  	[tilespmem:s17], [sflag:$0x5] =	stream.indirect_vreg.gather [hbm4b:s5+s2], $0x80, v3, vm0, $0xb8;
	[tilespmem:$0x16400] =	vst v63  }
0x6d: {  	v3 =	vld [tilespmem:$0x50];
	_ =	sdelay $0x4  }
0x6e: {  	v61 =	vshll.u32 v3, $0x2  }
0x6f: {  	v3 =	vand.u32 $0x7, v3;
	v4 =	vand.u32 $0xFFFFFFE0, v61  }
0x70: {  	v3 =	vor.u32 v3, v4  }
0x71: {  	v4 =	vperm.xlane v3, v0;
	_ =	sdelay $0x1  }
0x72: {  	v4 =	vadd.s32 v1, v4;
	_ =	sdelay $0x1  }
0x73: {  	v3 =	vperm.xlane v3, v2;
	_ =	sdelay $0x1  }
0x74: {  	v3 =	vadd.s32 v1, v3  }
0x75: {  	[tilespmem:s8], [sflag:$0x6] =	stream.indirect_vreg.gather [hbm4b:s3+s2], $0x80, v4, vm0, $0xb8;
	[tilespmem:$0x16400] =	vst v63  }
0x76: {  	s18 =	simm.s32 $0x10C00  }
0x77: {  	[tilespmem:s18], [sflag:$0x6] =	stream.indirect_vreg.gather [hbm4b:s5+s2], $0x80, v4, vm0, $0xb8;
	[tilespmem:$0x16400] =	vst v63  }
0x78: {  	s20 =	simm.s32 $0x11400  }
0x79: {  	[tilespmem:s20], [sflag:$0x6] =	stream.indirect_vreg.gather [hbm4b:s3+s2], $0x80, v3, vm0, $0xb8;
	[tilespmem:$0x16400] =	vst v63  }
0x7a: {  	s21 =	simm.s32 $0x11C00  }
0x7b: {  	[tilespmem:s21], [sflag:$0x6] =	stream.indirect_vreg.gather [hbm4b:s5+s2], $0x80, v3, vm0, $0xb8;
	[tilespmem:$0x16400] =	vst v63  }
0x7c: {  	v3 =	vld [tilespmem:$0x60];
	_ =	sdelay $0x4  }
0x7d: {  	v62 =	vshll.u32 v3, $0x2  }
0x7e: {  	v3 =	vand.u32 $0x7, v3;
	v4 =	vand.u32 $0xFFFFFFE0, v62  }
0x7f: {  	v3 =	vor.u32 v3, v4  }
0x80: {  	v4 =	vperm.xlane v3, v0;
	_ =	sdelay $0x1  }
0x81: {  	v4 =	vadd.s32 v1, v4;
	_ =	sdelay $0x1  }
0x82: {  	v3 =	vperm.xlane v3, v2;
	_ =	sdelay $0x1  }
0x83: {  	v3 =	vadd.s32 v1, v3  }
0x84: {  	[tilespmem:s12], [sflag:$0x7] =	stream.indirect_vreg.gather [hbm4b:s3+s2], $0x80, v4, vm0, $0xb8;
	[tilespmem:$0x16400] =	vst v63  }
0x85: {  	s22 =	simm.s32 $0x12C00  }
0x86: {  	[tilespmem:s22], [sflag:$0x7] =	stream.indirect_vreg.gather [hbm4b:s5+s2], $0x80, v4, vm0, $0xb8;
	[tilespmem:$0x16400] =	vst v63  }
0x87: {  	_ = 	snop  }
0x88: {  	[tilespmem:s19], [sflag:$0x7] =	stream.indirect_vreg.gather [hbm4b:s3+s2], $0x80, v3, vm0, $0xb8;
	[tilespmem:$0x16400] =	vst v63  }
0x89: {  	s23 =	simm.s32 $0x13C00  }
0x8a: {  	[tilespmem:s23], [sflag:$0x7] =	stream.indirect_vreg.gather [hbm4b:s5+s2], $0x80, v3, vm0, $0xb8;
	[tilespmem:$0x16400] =	vst v63  }
0x8b: {  	v3 =	vld [tilespmem:$0x70];
	_ =	sdelay $0x4  }
0x8c: {  	v63 =	vshll.u32 v3, $0x2  }
0x8d: {  	v3 =	vand.u32 $0x7, v3;
	v4 =	vand.u32 $0xFFFFFFE0, v63  }
0x8e: {  	v3 =	vor.u32 v3, v4  }
0x8f: {  	v4 =	vperm.xlane v3, v0;
	_ =	sdelay $0x1  }
0x90: {  	v4 =	vadd.s32 v1, v4;
	_ =	sdelay $0x1  }
0x91: {  	v3 =	vperm.xlane v3, v2;
	_ =	sdelay $0x1  }
0x92: {  	v3 =	vadd.s32 v1, v3  }
0x93: {  	[tilespmem:s24], [sflag:$0x8] =	stream.indirect_vreg.gather [hbm4b:s3+s2], $0x80, v4, vm0, $0xb8;
	[tilespmem:$0x16400] =	vst v63  }
0x94: {  	_ = 	snop  }
0x95: {  	[tilespmem:s25], [sflag:$0x8] =	stream.indirect_vreg.gather [hbm4b:s5+s2], $0x80, v4, vm0, $0xb8;
	[tilespmem:$0x16400] =	vst v63  }
0x96: {  	s0 =	simm.s32 $0x5;
	s1 =	simm.s32 $0x4;
	s26 =	simm.s32 $0x15400  }
0x97: {  	[tilespmem:s26], [sflag:$0x8] =	stream.indirect_vreg.gather [hbm4b:s3+s2], $0x80, v3, vm0, $0xb8;
	[tilespmem:$0x16400] =	vst v63  }
0x98: {  	s31 =	simm.s32 $0x15C00;
	s17 =	simm.s32 $0xF0;
	s20 =	simm.s32 $0x0  }
0x99: {  	[tilespmem:s31], [sflag:$0x8] =	stream.indirect_vreg.gather [hbm4b:s5+s2], $0x80, v3, vm0, $0xb8;
	[tilespmem:$0x16400] =	vst v63  }
.LBB2_2:
0x9a: {  	_ =	swait.ge [sflag:s28], $0x2000  }
0x9b: {  	s21 =	rddreg [dreg:$0x3];
	[sflag:s28] =	ssyncset.done $0x0  }
0x9c: {  	s22 =	simm.s32 $0x6400;
	[sflag:s28] =	ssyncadd.s32 $0xFFFFE000;
	s21 =	sadd.s32 s20, s21  }
0x9d: {  	[hbm4b:s21+s2] =	stream.linear.scatter [tilespmem:s22], [sflag:$0x9], $0x2000, $0x38;
	[tilespmem:$0x16400] =	vst v63  }
0x9e: {  	_ =	swait.ge [sflag:s29], $0x2000  }
0x9f: {  	s16 =	rddreg [dreg:$0x4]  }
0xa0: {  	[sflag:s29] =	ssyncset.done $0x0;
	s21 =	sadd.s32 s20, s16  }
0xa1: {  	s26 =	simm.s32 $0x8400;
	[sflag:s29] =	ssyncadd.s32 $0xFFFFE000;
	s23 =	sadd.s32 $0x400, s21  }
0xa2: {  	[hbm4b:s23+s2] =	stream.linear.scatter [tilespmem:s26], [sflag:$0xA], $0x2000, $0x38;
	[tilespmem:$0x16400] =	vst v63  }
0xa3: {  	_ =	swait.ge [sflag:s30], $0x2000  }
0xa4: {  	[sflag:s30] =	ssyncset.done $0x0  }
0xa5: {  	s31 =	simm.s32 $0xA400;
	s18 =	sadd.s32 $0x800, s21;
	[sflag:s30] =	ssyncadd.s32 $0xFFFFE000  }
0xa6: {  	[hbm4b:s18+s2] =	stream.linear.scatter [tilespmem:s31], [sflag:$0xB], $0x2000, $0x38;
	[tilespmem:$0x16400] =	vst v63  }
0xa7: {  	_ =	swait.ge [sflag:s1], $0x2000  }
0xa8: {  	[sflag:s1] =	ssyncset.done $0x0  }
0xa9: {  	s16 =	simm.s32 $0xC400;
	s19 =	sadd.s32 $0xC00, s21;
	[sflag:s1] =	ssyncadd.s32 $0xFFFFE000  }
0xaa: {  	[hbm4b:s19+s2] =	stream.linear.scatter [tilespmem:s16], [sflag:$0xC], $0x2000, $0x38;
	[tilespmem:$0x16400] =	vst v63  }
0xab: {  	_ =	swait.ge [sflag:s0], $0x2000  }
0xac: {  	[sflag:s0] =	ssyncset.done $0x0  }
0xad: {  	s8 =	simm.s32 $0xE400;
	s24 =	sadd.s32 $0x1000, s21;
	[sflag:s0] =	ssyncadd.s32 $0xFFFFE000  }
0xae: {  	[hbm4b:s24+s2] =	stream.linear.scatter [tilespmem:s8], [sflag:$0xD], $0x2000, $0x38;
	[tilespmem:$0x16400] =	vst v63  }
0xaf: {  	_ =	swait.ge [sflag:s15], $0x2000  }
0xb0: {  	[sflag:s15] =	ssyncset.done $0x0  }
0xb1: {  	s12 =	simm.s32 $0x10400;
	s25 =	sadd.s32 $0x1400, s21;
	[sflag:s15] =	ssyncadd.s32 $0xFFFFE000  }
0xb2: {  	[hbm4b:s25+s2] =	stream.linear.scatter [tilespmem:s12], [sflag:$0xE], $0x2000, $0x38;
	[tilespmem:$0x16400] =	vst v63  }
0xb3: {  	_ =	swait.ge [sflag:s4], $0x2000  }
0xb4: {  	[sflag:s4] =	ssyncset.done $0x0  }
0xb5: {  	s18 =	sadd.s32 $0x1800, s21;
	s19 =	simm.s32 $0x12400;
	[sflag:s4] =	ssyncadd.s32 $0xFFFFE000  }
0xb6: {  	[hbm4b:s18+s2] =	stream.linear.scatter [tilespmem:s19], [sflag:$0xF], $0x2000, $0x38;
	[tilespmem:$0x16400] =	vst v63  }
0xb7: {  	_ =	swait.ge [sflag:s6], $0x2000  }
0xb8: {  	[sflag:s6] =	ssyncset.done $0x0  }
0xb9: {  	s21 =	sadd.s32 $0x1C00, s21;
	s25 =	simm.s32 $0x14400;
	[sflag:s6] =	ssyncadd.s32 $0xFFFFE000  }
0xba: {  	[hbm4b:s21+s2] =	stream.linear.scatter [tilespmem:s25], [sflag:$0x10], $0x2000, $0x38;
	[tilespmem:$0x16400] =	vst v63  }
0xbb: {  	_ =	swait.ge [sflag:s7], $0x2000  }
0xbc: {  	[sflag:s7] =	ssyncset.done $0x0  }
0xbd: {  	[sflag:s7] =	ssyncadd.s32 $0xFFFFE000  }
0xbe: {  	v3 =	vld [tilespmem:s17+$0xFFFFFF90];
	_ =	sdelay $0x4  }
0xbf: {  	v4 =	vshll.u32 v3, $0x2  }
0xc0: {  	v3 =	vand.u32 $0x7, v3;
	v4 =	vand.u32 $0xFFFFFFE0, v4  }
0xc1: {  	v3 =	vor.u32 v3, v4  }
0xc2: {  	v4 =	vperm.xlane v3, v0;
	_ =	sdelay $0x1  }
0xc3: {  	v4 =	vadd.s32 v1, v4;
	_ =	sdelay $0x1  }
0xc4: {  	v3 =	vperm.xlane v3, v2;
	_ =	sdelay $0x1  }
0xc5: {  	v3 =	vadd.s32 v1, v3  }
0xc6: {  	[tilespmem:s22], [sflag:$0x1] =	stream.indirect_vreg.gather [hbm4b:s3+s2], $0x80, v4, vm0, $0xb8;
	[tilespmem:$0x16400] =	vst v63  }
0xc7: {  	s23 =	simm.s32 $0x6C00  }
0xc8: {  	[tilespmem:s23], [sflag:$0x1] =	stream.indirect_vreg.gather [hbm4b:s5+s2], $0x80, v4, vm0, $0xb8;
	[tilespmem:$0x16400] =	vst v63  }
0xc9: {  	s22 =	simm.s32 $0x7400  }
0xca: {  	[tilespmem:s22], [sflag:$0x1] =	stream.indirect_vreg.gather [hbm4b:s3+s2], $0x80, v3, vm0, $0xb8;
	[tilespmem:$0x16400] =	vst v63  }
0xcb: {  	s24 =	simm.s32 $0x7C00  }
0xcc: {  	[tilespmem:s24], [sflag:$0x1] =	stream.indirect_vreg.gather [hbm4b:s5+s2], $0x80, v3, vm0, $0xb8;
	[tilespmem:$0x16400] =	vst v63  }
0xcd: {  	_ =	swait.ge [sflag:s9], $0x2000  }
0xce: {  	[sflag:s9] =	ssyncset.done $0x0  }
0xcf: {  	[sflag:s9] =	ssyncadd.s32 $0xFFFFE000  }
0xd0: {  	v3 =	vld [tilespmem:s17+$0xFFFFFFA0];
	_ =	sdelay $0x4  }
0xd1: {  	v57 =	vshll.u32 v3, $0x2  }
0xd2: {  	v3 =	vand.u32 $0x7, v3;
	v4 =	vand.u32 $0xFFFFFFE0, v57  }
0xd3: {  	v3 =	vor.u32 v3, v4  }
0xd4: {  	v4 =	vperm.xlane v3, v0;
	_ =	sdelay $0x1  }
0xd5: {  	v4 =	vadd.s32 v1, v4;
	_ =	sdelay $0x1  }
0xd6: {  	v3 =	vperm.xlane v3, v2;
	_ =	sdelay $0x1  }
0xd7: {  	v3 =	vadd.s32 v1, v3  }
0xd8: {  	[tilespmem:s26], [sflag:$0x2] =	stream.indirect_vreg.gather [hbm4b:s3+s2], $0x80, v4, vm0, $0xb8;
	[tilespmem:$0x16400] =	vst v63  }
0xd9: {  	s26 =	simm.s32 $0x8C00  }
0xda: {  	[tilespmem:s26], [sflag:$0x2] =	stream.indirect_vreg.gather [hbm4b:s5+s2], $0x80, v4, vm0, $0xb8;
	[tilespmem:$0x16400] =	vst v63  }
0xdb: {  	s24 =	simm.s32 $0x9400  }
0xdc: {  	[tilespmem:s24], [sflag:$0x2] =	stream.indirect_vreg.gather [hbm4b:s3+s2], $0x80, v3, vm0, $0xb8;
	[tilespmem:$0x16400] =	vst v63  }
0xdd: {  	s26 =	simm.s32 $0x9C00  }
0xde: {  	[tilespmem:s26], [sflag:$0x2] =	stream.indirect_vreg.gather [hbm4b:s5+s2], $0x80, v3, vm0, $0xb8;
	[tilespmem:$0x16400] =	vst v63  }
0xdf: {  	_ =	swait.ge [sflag:s10], $0x2000  }
0xe0: {  	[sflag:s10] =	ssyncset.done $0x0  }
0xe1: {  	[sflag:s10] =	ssyncadd.s32 $0xFFFFE000  }
0xe2: {  	v3 =	vld [tilespmem:s17+$0xFFFFFFB0];
	_ =	sdelay $0x4  }
0xe3: {  	v58 =	vshll.u32 v3, $0x2  }
0xe4: {  	v3 =	vand.u32 $0x7, v3;
	v4 =	vand.u32 $0xFFFFFFE0, v58  }
0xe5: {  	v3 =	vor.u32 v3, v4  }
0xe6: {  	v4 =	vperm.xlane v3, v0;
	_ =	sdelay $0x1  }
0xe7: {  	v4 =	vadd.s32 v1, v4;
	_ =	sdelay $0x1  }
0xe8: {  	v3 =	vperm.xlane v3, v2;
	_ =	sdelay $0x1  }
0xe9: {  	v3 =	vadd.s32 v1, v3  }
0xea: {  	[tilespmem:s31], [sflag:$0x3] =	stream.indirect_vreg.gather [hbm4b:s3+s2], $0x80, v4, vm0, $0xb8;
	[tilespmem:$0x16400] =	vst v63  }
0xeb: {  	s24 =	simm.s32 $0xAC00  }
0xec: {  	[tilespmem:s24], [sflag:$0x3] =	stream.indirect_vreg.gather [hbm4b:s5+s2], $0x80, v4, vm0, $0xb8;
	[tilespmem:$0x16400] =	vst v63  }
0xed: {  	s24 =	simm.s32 $0xB400  }
0xee: {  	[tilespmem:s24], [sflag:$0x3] =	stream.indirect_vreg.gather [hbm4b:s3+s2], $0x80, v3, vm0, $0xb8;
	[tilespmem:$0x16400] =	vst v63  }
0xef: {  	s24 =	simm.s32 $0xBC00  }
0xf0: {  	[tilespmem:s24], [sflag:$0x3] =	stream.indirect_vreg.gather [hbm4b:s5+s2], $0x80, v3, vm0, $0xb8;
	[tilespmem:$0x16400] =	vst v63  }
0xf1: {  	_ =	swait.ge [sflag:s11], $0x2000  }
0xf2: {  	[sflag:s11] =	ssyncset.done $0x0  }
0xf3: {  	[sflag:s11] =	ssyncadd.s32 $0xFFFFE000  }
0xf4: {  	v3 =	vld [tilespmem:s17+$0xFFFFFFC0];
	_ =	sdelay $0x4  }
0xf5: {  	v59 =	vshll.u32 v3, $0x2  }
0xf6: {  	v3 =	vand.u32 $0x7, v3;
	v4 =	vand.u32 $0xFFFFFFE0, v59  }
0xf7: {  	v3 =	vor.u32 v3, v4  }
0xf8: {  	v4 =	vperm.xlane v3, v0;
	_ =	sdelay $0x1  }
0xf9: {  	v4 =	vadd.s32 v1, v4;
	_ =	sdelay $0x1  }
0xfa: {  	v3 =	vperm.xlane v3, v2;
	_ =	sdelay $0x1  }
0xfb: {  	v3 =	vadd.s32 v1, v3  }
0xfc: {  	[tilespmem:s16], [sflag:$0x4] =	stream.indirect_vreg.gather [hbm4b:s3+s2], $0x80, v4, vm0, $0xb8;
	[tilespmem:$0x16400] =	vst v63  }
0xfd: {  	s24 =	simm.s32 $0xCC00  }
0xfe: {  	[tilespmem:s24], [sflag:$0x4] =	stream.indirect_vreg.gather [hbm4b:s5+s2], $0x80, v4, vm0, $0xb8;
	[tilespmem:$0x16400] =	vst v63  }
0xff: {  	s21 =	simm.s32 $0xD400  }
0x100: {  	[tilespmem:s21], [sflag:$0x4] =	stream.indirect_vreg.gather [hbm4b:s3+s2], $0x80, v3, vm0, $0xb8;
	[tilespmem:$0x16400] =	vst v63  }
0x101: {  	s24 =	simm.s32 $0xDC00  }
0x102: {  	[tilespmem:s24], [sflag:$0x4] =	stream.indirect_vreg.gather [hbm4b:s5+s2], $0x80, v3, vm0, $0xb8;
	[tilespmem:$0x16400] =	vst v63  }
0x103: {  	_ =	swait.ge [sflag:s13], $0x2000  }
0x104: {  	[sflag:s13] =	ssyncset.done $0x0  }
0x105: {  	[sflag:s13] =	ssyncadd.s32 $0xFFFFE000  }
0x106: {  	v3 =	vld [tilespmem:s17+$0xFFFFFFD0];
	_ =	sdelay $0x4  }
0x107: {  	v60 =	vshll.u32 v3, $0x2  }
0x108: {  	v3 =	vand.u32 $0x7, v3;
	v4 =	vand.u32 $0xFFFFFFE0, v60  }
0x109: {  	v3 =	vor.u32 v3, v4  }
0x10a: {  	v4 =	vperm.xlane v3, v0;
	_ =	sdelay $0x1  }
0x10b: {  	v4 =	vadd.s32 v1, v4;
	_ =	sdelay $0x1  }
0x10c: {  	v3 =	vperm.xlane v3, v2;
	_ =	sdelay $0x1  }
0x10d: {  	v3 =	vadd.s32 v1, v3  }
0x10e: {  	[tilespmem:s8], [sflag:$0x5] =	stream.indirect_vreg.gather [hbm4b:s3+s2], $0x80, v4, vm0, $0xb8;
	[tilespmem:$0x16400] =	vst v63  }
0x10f: {  	s21 =	simm.s32 $0xEC00  }
0x110: {  	[tilespmem:s21], [sflag:$0x5] =	stream.indirect_vreg.gather [hbm4b:s5+s2], $0x80, v4, vm0, $0xb8;
	[tilespmem:$0x16400] =	vst v63  }
0x111: {  	s24 =	simm.s32 $0xF400  }
0x112: {  	[tilespmem:s24], [sflag:$0x5] =	stream.indirect_vreg.gather [hbm4b:s3+s2], $0x80, v3, vm0, $0xb8;
	[tilespmem:$0x16400] =	vst v63  }
0x113: {  	s21 =	simm.s32 $0xFC00  }
0x114: {  	[tilespmem:s21], [sflag:$0x5] =	stream.indirect_vreg.gather [hbm4b:s5+s2], $0x80, v3, vm0, $0xb8;
	[tilespmem:$0x16400] =	vst v63  }
0x115: {  	_ =	swait.ge [sflag:s14], $0x2000  }
0x116: {  	[sflag:s14] =	ssyncset.done $0x0  }
0x117: {  	[sflag:s14] =	ssyncadd.s32 $0xFFFFE000  }
0x118: {  	v3 =	vld [tilespmem:s17+$0xFFFFFFE0];
	_ =	sdelay $0x4  }
0x119: {  	v61 =	vshll.u32 v3, $0x2  }
0x11a: {  	v3 =	vand.u32 $0x7, v3;
	v4 =	vand.u32 $0xFFFFFFE0, v61  }
0x11b: {  	v3 =	vor.u32 v3, v4  }
0x11c: {  	v4 =	vperm.xlane v3, v0;
	_ =	sdelay $0x1  }
0x11d: {  	v4 =	vadd.s32 v1, v4;
	_ =	sdelay $0x1  }
0x11e: {  	v3 =	vperm.xlane v3, v2;
	_ =	sdelay $0x1  }
0x11f: {  	v3 =	vadd.s32 v1, v3  }
0x120: {  	[tilespmem:s12], [sflag:$0x6] =	stream.indirect_vreg.gather [hbm4b:s3+s2], $0x80, v4, vm0, $0xb8;
	[tilespmem:$0x16400] =	vst v63  }
0x121: {  	s24 =	simm.s32 $0x10C00  }
0x122: {  	[tilespmem:s24], [sflag:$0x6] =	stream.indirect_vreg.gather [hbm4b:s5+s2], $0x80, v4, vm0, $0xb8;
	[tilespmem:$0x16400] =	vst v63  }
0x123: {  	s21 =	simm.s32 $0x11400  }
0x124: {  	[tilespmem:s21], [sflag:$0x6] =	stream.indirect_vreg.gather [hbm4b:s3+s2], $0x80, v3, vm0, $0xb8;
	[tilespmem:$0x16400] =	vst v63  }
0x125: {  	s24 =	simm.s32 $0x11C00;
	s21 =	simm.s32 $0xF  }
0x126: {  	[tilespmem:s24], [sflag:$0x6] =	stream.indirect_vreg.gather [hbm4b:s5+s2], $0x80, v3, vm0, $0xb8;
	[tilespmem:$0x16400] =	vst v63  }
0x127: {  	_ =	swait.ge [sflag:s21], $0x2000  }
0x128: {  	[sflag:s21] =	ssyncset.done $0x0  }
0x129: {  	[sflag:s21] =	ssyncadd.s32 $0xFFFFE000  }
0x12a: {  	v3 =	vld [tilespmem:s17+$0xFFFFFFF0];
	_ =	sdelay $0x4  }
0x12b: {  	v62 =	vshll.u32 v3, $0x2  }
0x12c: {  	v3 =	vand.u32 $0x7, v3;
	v4 =	vand.u32 $0xFFFFFFE0, v62  }
0x12d: {  	v3 =	vor.u32 v3, v4  }
0x12e: {  	v4 =	vperm.xlane v3, v0;
	_ =	sdelay $0x1  }
0x12f: {  	v4 =	vadd.s32 v1, v4;
	_ =	sdelay $0x1  }
0x130: {  	v3 =	vperm.xlane v3, v2;
	_ =	sdelay $0x1  }
0x131: {  	v3 =	vadd.s32 v1, v3  }
0x132: {  	[tilespmem:s19], [sflag:$0x7] =	stream.indirect_vreg.gather [hbm4b:s3+s2], $0x80, v4, vm0, $0xb8;
	[tilespmem:$0x16400] =	vst v63  }
0x133: {  	s24 =	simm.s32 $0x12C00  }
0x134: {  	[tilespmem:s24], [sflag:$0x7] =	stream.indirect_vreg.gather [hbm4b:s5+s2], $0x80, v4, vm0, $0xb8;
	[tilespmem:$0x16400] =	vst v63  }
0x135: {  	s19 =	simm.s32 $0x13400  }
0x136: {  	[tilespmem:s19], [sflag:$0x7] =	stream.indirect_vreg.gather [hbm4b:s3+s2], $0x80, v3, vm0, $0xb8;
	[tilespmem:$0x16400] =	vst v63  }
0x137: {  	s24 =	simm.s32 $0x13C00  }
0x138: {  	[tilespmem:s24], [sflag:$0x7] =	stream.indirect_vreg.gather [hbm4b:s5+s2], $0x80, v3, vm0, $0xb8;
	[tilespmem:$0x16400] =	vst v63  }
0x139: {  	s24 =	simm.s32 $0x10  }
0x13a: {  	_ =	swait.ge [sflag:s24], $0x2000  }
0x13b: {  	[sflag:s24] =	ssyncset.done $0x0  }
0x13c: {  	[sflag:s24] =	ssyncadd.s32 $0xFFFFE000  }
0x13d: {  	v3 =	vld [tilespmem:s17+$0x0];
	_ =	sdelay $0x4  }
0x13e: {  	v63 =	vshll.u32 v3, $0x2  }
0x13f: {  	v3 =	vand.u32 $0x7, v3;
	v4 =	vand.u32 $0xFFFFFFE0, v63  }
0x140: {  	v3 =	vor.u32 v3, v4  }
0x141: {  	v4 =	vperm.xlane v3, v0;
	_ =	sdelay $0x1  }
0x142: {  	v4 =	vadd.s32 v1, v4;
	_ =	sdelay $0x2  }
0x143: {  	v3 =	vperm.xlane v3, v2  }
0x144: {  	p0 =	sne.s32 s20, $0x18C000;
	s20 =	sadd.s32 $0x2000, s20;
	s18 =	simm.s32 $0x6400  }
0x145: {  	v3 =	vadd.s32 v1, v3;
	[tilespmem:s25], [sflag:$0x8] =	stream.indirect_vreg.gather [hbm4b:s3+s2], $0x80, v4, vm0, $0xb8;
	[tilespmem:$0x16400] =	vst v63  }
0x146: {  	s22 =	simm.s32 $0x8400;
	s26 =	simm.s32 $0xA400;
	s25 =	simm.s32 $0x14C00  }
0x147: {  	[tilespmem:s25], [sflag:$0x8] =	stream.indirect_vreg.gather [hbm4b:s5+s2], $0x80, v4, vm0, $0xb8;
	[tilespmem:$0x16400] =	vst v63  }
.Ltmp0:
0x148: {  	s31 =	simm.s32 $0xC400;
	s16 =	simm.s32 $0xE400;
	(pc) =	sbr.rel @p0 .LBB2_2-.Ltmp0, $4  }
0x149: {  	s8 =	simm.s32 $0x10400;
	s12 =	simm.s32 $0x12400;
	s21 =	simm.s32 $0x15400  }
0x14a: {  	[tilespmem:s21], [sflag:$0x8] =	stream.indirect_vreg.gather [hbm4b:s3+s2], $0x80, v3, vm0, $0xb8;
	[tilespmem:$0x16400] =	vst v63  }
0x14b: {  	s24 =	simm.s32 $0x14400;
	s17 =	sadd.s32 $0x80, s17;
	s21 =	simm.s32 $0x15C00  }
0x14c: {  	[tilespmem:s21], [sflag:$0x8] =	stream.indirect_vreg.gather [hbm4b:s5+s2], $0x80, v3, vm0, $0xb8;
	[tilespmem:$0x16400] =	vst v63  }
0x14d: {  	_ =	swait.ge [sflag:s28], $0x2000  }
0x14e: {  	[sflag:s28] =	ssyncset.done $0x0  }
0x14f: {  	s17 =	rddreg [dreg:$0x6];
	[sflag:s28] =	ssyncadd.s32 $0xFFFFE000  }
0x150: {  	[hbm4b:s17+s2] =	stream.linear.scatter [tilespmem:s18], [sflag:$0x9], $0x2000, $0x38;
	[tilespmem:$0x16400] =	vst v63  }
0x151: {  	_ =	swait.ge [sflag:s29], $0x2000  }
0x152: {  	[sflag:s29] =	ssyncset.done $0x0  }
0x153: {  	s20 =	rddreg [dreg:$0x7];
	[sflag:s29] =	ssyncadd.s32 $0xFFFFE000  }
0x154: {  	[hbm4b:s20+s2] =	stream.linear.scatter [tilespmem:s22], [sflag:$0xA], $0x2000, $0x38;
	[tilespmem:$0x16400] =	vst v63  }
0x155: {  	_ =	swait.ge [sflag:s30], $0x2000  }
0x156: {  	[sflag:s30] =	ssyncset.done $0x0  }
0x157: {  	s21 =	rddreg [dreg:$0x8];
	[sflag:s30] =	ssyncadd.s32 $0xFFFFE000  }
0x158: {  	[hbm4b:s21+s2] =	stream.linear.scatter [tilespmem:s26], [sflag:$0xB], $0x2000, $0x38;
	[tilespmem:$0x16400] =	vst v63  }
0x159: {  	_ =	swait.ge [sflag:s1], $0x2000  }
0x15a: {  	[sflag:s1] =	ssyncset.done $0x0  }
0x15b: {  	[sflag:s1] =	ssyncadd.s32 $0xFFFFE000;
	s1 =	rddreg [dreg:$0x9]  }
0x15c: {  	[hbm4b:s1+s2] =	stream.linear.scatter [tilespmem:s31], [sflag:$0xC], $0x2000, $0x38;
	[tilespmem:$0x16400] =	vst v63  }
0x15d: {  	_ =	swait.ge [sflag:s0], $0x2000  }
0x15e: {  	[sflag:s0] =	ssyncset.done $0x0  }
0x15f: {  	s20 =	rddreg [dreg:$0xa];
	[sflag:s0] =	ssyncadd.s32 $0xFFFFE000  }
0x160: {  	[hbm4b:s20+s2] =	stream.linear.scatter [tilespmem:s16], [sflag:$0xD], $0x2000, $0x38;
	[tilespmem:$0x16400] =	vst v63  }
0x161: {  	_ =	swait.ge [sflag:s15], $0x2000  }
0x162: {  	[sflag:s15] =	ssyncset.done $0x0  }
0x163: {  	s21 =	rddreg [dreg:$0xb];
	[sflag:s15] =	ssyncadd.s32 $0xFFFFE000  }
0x164: {  	[hbm4b:s21+s2] =	stream.linear.scatter [tilespmem:s8], [sflag:$0xE], $0x2000, $0x38;
	[tilespmem:$0x16400] =	vst v63  }
0x165: {  	_ =	swait.ge [sflag:s4], $0x2000  }
0x166: {  	[sflag:s4] =	ssyncset.done $0x0  }
0x167: {  	s0 =	rddreg [dreg:$0xc];
	[sflag:s4] =	ssyncadd.s32 $0xFFFFE000  }
0x168: {  	[hbm4b:s0+s2] =	stream.linear.scatter [tilespmem:s12], [sflag:$0xF], $0x2000, $0x38;
	[tilespmem:$0x16400] =	vst v63  }
0x169: {  	_ =	swait.ge [sflag:s6], $0x2000  }
0x16a: {  	[sflag:s6] =	ssyncset.done $0x0  }
0x16b: {  	s1 =	rddreg [dreg:$0xd];
	[sflag:s6] =	ssyncadd.s32 $0xFFFFE000  }
0x16c: {  	[hbm4b:s1+s2] =	stream.linear.scatter [tilespmem:s24], [sflag:$0x10], $0x2000, $0x38;
	[tilespmem:$0x16400] =	vst v63  }
0x16d: {  	_ =	swait.ge [sflag:s7], $0x2000  }
0x16e: {  	[sflag:s7] =	ssyncset.done $0x0  }
0x16f: {  	[sflag:s7] =	ssyncadd.s32 $0xFFFFE000  }
0x170: {  	_ =	swait.ge [sflag:s9], $0x2000  }
0x171: {  	[sflag:s9] =	ssyncset.done $0x0  }
0x172: {  	[sflag:s9] =	ssyncadd.s32 $0xFFFFE000  }
0x173: {  	_ =	swait.ge [sflag:s10], $0x2000  }
0x174: {  	[sflag:s10] =	ssyncset.done $0x0  }
0x175: {  	[sflag:s10] =	ssyncadd.s32 $0xFFFFE000  }
0x176: {  	_ =	swait.ge [sflag:s11], $0x2000  }
0x177: {  	[sflag:s11] =	ssyncset.done $0x0  }
0x178: {  	[sflag:s11] =	ssyncadd.s32 $0xFFFFE000  }
0x179: {  	_ =	swait.ge [sflag:s13], $0x2000  }
0x17a: {  	[sflag:s13] =	ssyncset.done $0x0  }
0x17b: {  	[sflag:s13] =	ssyncadd.s32 $0xFFFFE000  }
0x17c: {  	_ =	swait.ge [sflag:s14], $0x2000  }
0x17d: {  	[sflag:s14] =	ssyncset.done $0x0  }
0x17e: {  	s17 =	simm.s32 $0xF;
	[sflag:s14] =	ssyncadd.s32 $0xFFFFE000  }
0x17f: {  	_ =	swait.ge [sflag:s17], $0x2000  }
0x180: {  	[sflag:s17] =	ssyncset.done $0x0  }
0x181: {  	s1 =	simm.s32 $0x10;
	[sflag:s17] =	ssyncadd.s32 $0xFFFFE000  }
0x182: {  	_ =	swait.ge [sflag:s1], $0x2000  }
0x183: {  	s20 =	rddreg [dreg:$0xf]  }
0x184: {  	s21 =	rddreg [dreg:$0xe];
	s0 =	sadd.s32 $0x1, s20  }
0x185: {  	p0 =	sne.s32 s0, s21  }
.Ltmp1:
0x186: {  	_ = 	snop;
	(pc) =	sbr.rel @p0 .LBB2_1-.Ltmp1, $3  }
0x187: {  	_ =	sdelay $0x1  }
0x188: {  	[sflag:s1] =	ssyncset.done $0x0  }
0x189: {  	[sflag:s1] =	ssyncadd.s32 $0xFFFFE000  }
0x18a: {  	_ =	sfence.sel $0x180000  }
0x18b: {  	[bflag:$0x0] =	sbarrier.arrive $0xFFFF  }
0x18c: {  	_ =	strace $0x90000047  }
0x18d: {  	s0 =	stileid.u32;
	[bflag:$0x2] =	sbarrier.arrive $0xFFFF  }
0x18e: {  	p0 =	sne.s32 s0, $0x0;
	s0 =	rddreg [dreg:$0x2]  }
0x18f: {  	s0 =	sadd.s32 @!p0 $0x100000, s0  }
0x190: {  	[sflag:s0] =	ssyncadd.tile.s32 @!p0 $0x1;
	_ =	shalt  }
.Lfunc_end2:
_tile_overlayer_lowered:
.L_overlay_start_2:
0x191: {  	(tag) =	ssettag $0x2  }
0x192: {  	s0 =	rddreg [dreg:$0x0];
	s2 =	stileid.u32  }
0x193: {  	s1 =	rddreg [dreg:$0x1];
	p0 =	sne.s32 s2, $0x0  }
0x194: {  	s3 =	rddreg [dreg:$0x2];
	[bflag:$0x3] =	sbarrier.arrive $0xFFFF;
	s2 =	simm.s32 @!p0 $0x1C11  }
0x195: {  	[timem:s3], [sflag:s2] =	dma.local @!p0 [hbm:s0], s1  }
0x196: {  	s0 =	simm.s32 @!p0 $0x11  }
0x197: {  	_ =	swait.ge @!p0 [sflag:s0], s1  }
0x198: {  	s1 =	ssub.s32 @!p0 $0x0, s1;
	[sflag:s0] =	ssyncset.done @!p0 $0x0  }
0x199: {  	[sflag:s0] =	ssyncadd.s32 @!p0 s1  }
0x19a: {  	[bflag:$0x3] =	sbarrier.arrive $0xFFFF  }
0x19b: {  	_ =	shalt  }

</sc_bundles>
